<compile_context>
chip_gen: v7x
topology: tpu7x:2x2x1
jax: 0.10.2.dev20260603
libtpu: 0.0.44.dev20260713+nightly
codegen_flags: <defaults>
</compile_context>

<pallas_src>
import functools

import jax
import jax.numpy as jnp
from jax import lax
from jax.experimental import pallas as pl
from jax.experimental.pallas import tpu as pltpu
from jax.experimental.pallas import tpu_sc as plsc

VOCAB = 100000
EMBED_DIMENSION = 300
BATCH = 1024
BLOCK_N = 4096


def _gather_cols_sc(table_t, idx):
    info = plsc.get_sparse_core_info()
    nw = info.num_cores * info.num_subcores
    rows_per_w = (EMBED_DIMENSION + nw - 1) // nw
    mesh = plsc.VectorSubcoreMesh(core_axis_name="c", subcore_axis_name="s")

    @functools.partial(
        pl.kernel,
        mesh=mesh,
        out_type=jax.ShapeDtypeStruct((EMBED_DIMENSION, BATCH), jnp.float32),
        scratch_types=[
            pltpu.VMEM((BATCH,), jnp.int32),
            pltpu.VMEM((VOCAB,), jnp.float32),
            pltpu.VMEM((BATCH,), jnp.float32),
        ],
        compiler_params=pltpu.CompilerParams(needs_layout_passes=False),
    )
    def extract_kernel(et_hbm, idx_hbm, xt_hbm, idx_v, row_v, out_v):
        wid = lax.axis_index("s") * info.num_cores + lax.axis_index("c")
        pltpu.sync_copy(idx_hbm, idx_v)
        for k in range(rows_per_w):
            d = wid + nw * k

            @pl.when(d < EMBED_DIMENSION)
            def _():
                pltpu.sync_copy(et_hbm.at[d], row_v)

                def body(c, carry):
                    chunk = idx_v[pl.ds(c * 16, 16)]
                    vals = plsc.load_gather(row_v, [chunk])
                    out_v[pl.ds(c * 16, 16)] = vals
                    return carry

                lax.fori_loop(0, BATCH // 16, body, 0)
                pltpu.sync_copy(out_v, xt_hbm.at[d])

    return extract_kernel(table_t, idx)


def _project_kernel(xt_ref, wt_ref, b_ref, o_ref):
    xt = xt_ref[...]
    ss = jnp.sum(xt * xt, axis=0, keepdims=True)
    norm = jnp.sqrt(ss)
    scale = jnp.minimum(1.0, 1.0 / jnp.maximum(norm, 1e-7))
    xs = xt * scale
    acc = lax.dot_general(
        wt_ref[...],
        xs,
        (((0,), (0,)), ((), ())),
        preferred_element_type=jnp.float32,
    )
    o_ref[...] = acc + b_ref[...]


def _project(xt, w_t, b):
    grid = (pl.cdiv(VOCAB, BLOCK_N),)
    return pl.pallas_call(
        _project_kernel,
        grid=grid,
        in_specs=[
            pl.BlockSpec((EMBED_DIMENSION, BATCH), lambda j: (0, 0)),
            pl.BlockSpec((EMBED_DIMENSION, BLOCK_N), lambda j: (0, j)),
            pl.BlockSpec((BLOCK_N, 1), lambda j: (j, 0)),
        ],
        out_specs=pl.BlockSpec((BLOCK_N, BATCH), lambda j: (j, 0)),
        compiler_params=pltpu.CompilerParams(vmem_limit_bytes=120 * 1024 * 1024),
        out_shape=jax.ShapeDtypeStruct((VOCAB, BATCH), jnp.float32),
    )(xt, w_t, b.reshape(VOCAB, 1))


@jax.jit
def kernel(inputs_, emb_table, W, b):
    idx = inputs_.astype(jnp.int32)
    xt = _gather_cols_sc(emb_table.T, idx)
    out_t = _project(xt, W.T, b)
    return out_t.T

# --- scband reference (transcript-rebuilt; emitter-appended) ---
"""Pipeline reference for scband-skip-gram-model-76965813945136 (READ-ONLY COPY).

The authoritative reference and input builder live on the scoring server;
editing this copy changes nothing except your own understanding.
"""

import jax, jax.numpy as jnp
import numpy as np

VOCAB = 100000
EMBED_DIMENSION = 300
EMBED_MAX_NORM = 1.0
BATCH = 1024

def setup_inputs(seed: int = 0) -> dict:
    key = jax.random.key(seed)
    k1, k2, k3 = jax.random.split(key, 3)
    inputs_ = jax.random.randint(k1, (BATCH,), 0, VOCAB, dtype=jnp.int64) if jax.config.jax_enable_x64 else jax.random.randint(k1, (BATCH,), 0, VOCAB, dtype=jnp.int32)
    emb_table = jax.random.normal(k2, (VOCAB, EMBED_DIMENSION), dtype=jnp.float32) * 0.02
    W = jax.random.normal(k3, (VOCAB, EMBED_DIMENSION), dtype=jnp.float32) * 0.02
    b = jnp.zeros((VOCAB,), dtype=jnp.float32)
    return {"inputs_": inputs_, "emb_table": emb_table, "W": W, "b": b}

def reference(inputs_, emb_table, W, b):
    # nn.Embedding with max_norm=1: rows whose L2 norm exceeds max_norm are
    # renormalized (in torch this is an in-place, non-differentiable renorm).
    rows = jnp.take(emb_table, inputs_, axis=0)
    norms = jnp.linalg.norm(rows, axis=-1, keepdims=True)
    scale = jnp.minimum(1.0, EMBED_MAX_NORM / jnp.maximum(norms, 1e-7))
    x = rows * jax.lax.stop_gradient(scale)
    # nn.Linear(EMBED_DIMENSION, vocab_size): y = x @ W.T + b
    out = x @ W.T + b
    return out

if __name__ == "__main__":
    import jax
    _d = setup_inputs()
    print(jax.jit(kernel)(*tuple(_d.values())))

</pallas_src>

<mosaic_0001>
#map = affine_map<(d0, d1) -> (0, 0)>
#map1 = affine_map<(d0, d1) -> (0)>
module attributes {stable_mosaic.version = 14 : i64} {
  func.func @extract_kernel(%arg0: i32, %arg1: i32, %arg2: memref<300x100000xf32, #tpu.memory_space<hbm>>, %arg3: memref<1024xi32, #tpu.memory_space<hbm>>, %arg4: memref<300x1024xf32, #tpu.memory_space<hbm>>, %arg5: memref<1024xi32, #tpu.memory_space<vmem>>, %arg6: memref<100000xf32, #tpu.memory_space<vmem>>, %arg7: memref<1024xf32, #tpu.memory_space<vmem>>) attributes {dimension_semantics = [#tpu.dimension_semantics<core_parallel>, #tpu.dimension_semantics<subcore_parallel>], iteration_bounds = array<i64: 2, 16>, scalar_prefetch = 0 : i64, scratch_operands = 3 : i64, tpu.core_type = #tpu.core_type<sc_vector_subcore>, window_params = [{transform_indices = #map}, {transform_indices = #map1}, {transform_indices = #map}]} {
    %mul3A = arith.constant 2 : i32
    %mul3A_0 = arith.muli %arg1, %mul3A : i32
    %add3A = arith.addi %mul3A_0, %arg0 : i32
    "tpu.region"() ({
      %run_scoped3A = tpu.sem_alloc : memref<!tpu.dma_semaphore, #tpu.memory_space<semaphore_mem>>
      tpu.enqueue_dma source(%arg3 : memref<1024xi32, #tpu.memory_space<hbm>>) target(%arg5 : memref<1024xi32, #tpu.memory_space<vmem>>) target_semaphore(%run_scoped3A : memref<!tpu.dma_semaphore, #tpu.memory_space<semaphore_mem>>)
      tpu.wait_dma2 semaphore(%run_scoped3A : memref<!tpu.dma_semaphore, #tpu.memory_space<semaphore_mem>>) src(%arg3 : memref<1024xi32, #tpu.memory_space<hbm>>) dst(%arg5 : memref<1024xi32, #tpu.memory_space<vmem>>)
      tpu.yield
    }) : () -> ()
    %add3A_1 = arith.constant 0 : i32
    %add3A_2 = arith.addi %add3A, %add3A_1 : i32
    %lt3A = arith.constant 300 : i32
    %lt3A_3 = arith.cmpi slt, %add3A_2, %lt3A : i32
    %convert_element_type3A = arith.extui %lt3A_3 : i1 to i32
    %cond3A = arith.constant 0 : i32
    %cond3A_4 = arith.cmpi ne, %convert_element_type3A, %cond3A : i32
    scf.if %cond3A_4 {
      "tpu.region"() ({
        %run_scoped3A = tpu.sem_alloc : memref<!tpu.dma_semaphore, #tpu.memory_space<semaphore_mem>>
        %dma_start3A = arith.constant 0 : i32
        %dma_start3A_73 = tpu.memref_slice %arg2[%add3A_2, %dma_start3A] : memref<300x100000xf32, #tpu.memory_space<hbm>> -> memref<1x100000xf32, #tpu.memory_space<hbm>>
        %dma_start3A_74 = tpu.memref_squeeze %dma_start3A_73 : memref<1x100000xf32, #tpu.memory_space<hbm>> -> memref<100000xf32, #tpu.memory_space<hbm>>
        %dma_start3A_75 = arith.constant 0 : i32
        %dma_start3A_76 = tpu.memref_slice %arg2[%add3A_2, %dma_start3A_75] : memref<300x100000xf32, #tpu.memory_space<hbm>> -> memref<1x100000xf32, #tpu.memory_space<hbm>>
        %dma_start3A_77 = tpu.memref_squeeze %dma_start3A_76 : memref<1x100000xf32, #tpu.memory_space<hbm>> -> memref<100000xf32, #tpu.memory_space<hbm>>
        tpu.enqueue_dma source(%dma_start3A_77 : memref<100000xf32, #tpu.memory_space<hbm>>) target(%arg6 : memref<100000xf32, #tpu.memory_space<vmem>>) target_semaphore(%run_scoped3A : memref<!tpu.dma_semaphore, #tpu.memory_space<semaphore_mem>>)
        %dma_wait3A = arith.constant 0 : i32
        %dma_wait3A_78 = tpu.memref_slice %arg2[%add3A_2, %dma_wait3A] : memref<300x100000xf32, #tpu.memory_space<hbm>> -> memref<1x100000xf32, #tpu.memory_space<hbm>>
        %dma_wait3A_79 = tpu.memref_squeeze %dma_wait3A_78 : memref<1x100000xf32, #tpu.memory_space<hbm>> -> memref<100000xf32, #tpu.memory_space<hbm>>
        %dma_wait3A_80 = arith.constant 0 : i32
        %dma_wait3A_81 = tpu.memref_slice %arg2[%add3A_2, %dma_wait3A_80] : memref<300x100000xf32, #tpu.memory_space<hbm>> -> memref<1x100000xf32, #tpu.memory_space<hbm>>
        %dma_wait3A_82 = tpu.memref_squeeze %dma_wait3A_81 : memref<1x100000xf32, #tpu.memory_space<hbm>> -> memref<100000xf32, #tpu.memory_space<hbm>>
        tpu.wait_dma2 semaphore(%run_scoped3A : memref<!tpu.dma_semaphore, #tpu.memory_space<semaphore_mem>>) src(%dma_wait3A_82 : memref<100000xf32, #tpu.memory_space<hbm>>) dst(%arg6 : memref<100000xf32, #tpu.memory_space<vmem>>)
        tpu.yield
      }) : () -> ()
      %scan3A = arith.constant 0 : i32
      %scan3A_68 = arith.constant 0 : i32
      %scan3A_69 = arith.constant 64 : i32
      %scan3A_70 = arith.addi %scan3A_68, %scan3A_69 : i32
      %scan3A_71 = arith.constant 1 : i32
      scf.for %scan3A_73 = %scan3A_68 to %scan3A_70 step %scan3A_71  : i32 {
        %mul3A_74 = arith.constant 16 : i32
        %mul3A_75 = arith.muli %scan3A_73, %mul3A_74 : i32
        %get3A = arith.index_cast %mul3A_75 : i32 to index
        %get3A_76 = tpu.vector_load %arg5[%get3A] {strides = array<i32>} : memref<1024xi32, #tpu.memory_space<vmem>>, vector<16xi32>,
        %gather3A = tpu.vector_load_idx %arg6[%get3A_76] : memref<100000xf32, #tpu.memory_space<vmem>>[vector<16xi32>], vector<16xf32>,
        %mul3A_77 = arith.constant 16 : i32
        %mul3A_78 = arith.muli %scan3A_73, %mul3A_77 : i32
        %swap3A = arith.index_cast %mul3A_78 : i32 to index
        %swap3A_79 = tpu.vector_load %arg7[%swap3A] {strides = array<i32>} : memref<1024xf32, #tpu.memory_space<vmem>>, vector<16xf32>,
        tpu.vector_store %arg7[%swap3A], %gather3A {strides = array<i32>} : memref<1024xf32, #tpu.memory_space<vmem>>, vector<16xf32>,
      }
      %scan3A_72 = arith.constant 64 : i32
      "tpu.region"() ({
        %run_scoped3A = tpu.sem_alloc : memref<!tpu.dma_semaphore, #tpu.memory_space<semaphore_mem>>
        %dma_start3A = arith.constant 0 : i32
        %dma_start3A_73 = tpu.memref_slice %arg4[%add3A_2, %dma_start3A] : memref<300x1024xf32, #tpu.memory_space<hbm>> -> memref<1x1024xf32, #tpu.memory_space<hbm>>
        %dma_start3A_74 = tpu.memref_squeeze %dma_start3A_73 : memref<1x1024xf32, #tpu.memory_space<hbm>> -> memref<1024xf32, #tpu.memory_space<hbm>>
        %dma_start3A_75 = arith.constant 0 : i32
        %dma_start3A_76 = tpu.memref_slice %arg4[%add3A_2, %dma_start3A_75] : memref<300x1024xf32, #tpu.memory_space<hbm>> -> memref<1x1024xf32, #tpu.memory_space<hbm>>
        %dma_start3A_77 = tpu.memref_squeeze %dma_start3A_76 : memref<1x1024xf32, #tpu.memory_space<hbm>> -> memref<1024xf32, #tpu.memory_space<hbm>>
        tpu.enqueue_dma source(%arg7 : memref<1024xf32, #tpu.memory_space<vmem>>) target(%dma_start3A_77 : memref<1024xf32, #tpu.memory_space<hbm>>) target_semaphore(%run_scoped3A : memref<!tpu.dma_semaphore, #tpu.memory_space<semaphore_mem>>)
        %dma_wait3A = arith.constant 0 : i32
        %dma_wait3A_78 = tpu.memref_slice %arg4[%add3A_2, %dma_wait3A] : memref<300x1024xf32, #tpu.memory_space<hbm>> -> memref<1x1024xf32, #tpu.memory_space<hbm>>
        %dma_wait3A_79 = tpu.memref_squeeze %dma_wait3A_78 : memref<1x1024xf32, #tpu.memory_space<hbm>> -> memref<1024xf32, #tpu.memory_space<hbm>>
        %dma_wait3A_80 = arith.constant 0 : i32
        %dma_wait3A_81 = tpu.memref_slice %arg4[%add3A_2, %dma_wait3A_80] : memref<300x1024xf32, #tpu.memory_space<hbm>> -> memref<1x1024xf32, #tpu.memory_space<hbm>>
        %dma_wait3A_82 = tpu.memref_squeeze %dma_wait3A_81 : memref<1x1024xf32, #tpu.memory_space<hbm>> -> memref<1024xf32, #tpu.memory_space<hbm>>
        tpu.wait_dma2 semaphore(%run_scoped3A : memref<!tpu.dma_semaphore, #tpu.memory_space<semaphore_mem>>) src(%arg7 : memref<1024xf32, #tpu.memory_space<vmem>>) dst(%dma_wait3A_82 : memref<1024xf32, #tpu.memory_space<hbm>>)
        tpu.yield
      }) : () -> ()
    } else {
    }
    %add3A_5 = arith.constant 32 : i32
    %add3A_6 = arith.addi %add3A, %add3A_5 : i32
    %lt3A_7 = arith.constant 300 : i32
    %lt3A_8 = arith.cmpi slt, %add3A_6, %lt3A_7 : i32
    %convert_element_type3A_9 = arith.extui %lt3A_8 : i1 to i32
    %cond3A_10 = arith.constant 0 : i32
    %cond3A_11 = arith.cmpi ne, %convert_element_type3A_9, %cond3A_10 : i32
    scf.if %cond3A_11 {
      "tpu.region"() ({
        %run_scoped3A = tpu.sem_alloc : memref<!tpu.dma_semaphore, #tpu.memory_space<semaphore_mem>>
        %dma_start3A = arith.constant 0 : i32
        %dma_start3A_73 = tpu.memref_slice %arg2[%add3A_6, %dma_start3A] : memref<300x100000xf32, #tpu.memory_space<hbm>> -> memref<1x100000xf32, #tpu.memory_space<hbm>>
        %dma_start3A_74 = tpu.memref_squeeze %dma_start3A_73 : memref<1x100000xf32, #tpu.memory_space<hbm>> -> memref<100000xf32, #tpu.memory_space<hbm>>
        %dma_start3A_75 = arith.constant 0 : i32
        %dma_start3A_76 = tpu.memref_slice %arg2[%add3A_6, %dma_start3A_75] : memref<300x100000xf32, #tpu.memory_space<hbm>> -> memref<1x100000xf32, #tpu.memory_space<hbm>>
        %dma_start3A_77 = tpu.memref_squeeze %dma_start3A_76 : memref<1x100000xf32, #tpu.memory_space<hbm>> -> memref<100000xf32, #tpu.memory_space<hbm>>
        tpu.enqueue_dma source(%dma_start3A_77 : memref<100000xf32, #tpu.memory_space<hbm>>) target(%arg6 : memref<100000xf32, #tpu.memory_space<vmem>>) target_semaphore(%run_scoped3A : memref<!tpu.dma_semaphore, #tpu.memory_space<semaphore_mem>>)
        %dma_wait3A = arith.constant 0 : i32
        %dma_wait3A_78 = tpu.memref_slice %arg2[%add3A_6, %dma_wait3A] : memref<300x100000xf32, #tpu.memory_space<hbm>> -> memref<1x100000xf32, #tpu.memory_space<hbm>>
        %dma_wait3A_79 = tpu.memref_squeeze %dma_wait3A_78 : memref<1x100000xf32, #tpu.memory_space<hbm>> -> memref<100000xf32, #tpu.memory_space<hbm>>
        %dma_wait3A_80 = arith.constant 0 : i32
        %dma_wait3A_81 = tpu.memref_slice %arg2[%add3A_6, %dma_wait3A_80] : memref<300x100000xf32, #tpu.memory_space<hbm>> -> memref<1x100000xf32, #tpu.memory_space<hbm>>
        %dma_wait3A_82 = tpu.memref_squeeze %dma_wait3A_81 : memref<1x100000xf32, #tpu.memory_space<hbm>> -> memref<100000xf32, #tpu.memory_space<hbm>>
        tpu.wait_dma2 semaphore(%run_scoped3A : memref<!tpu.dma_semaphore, #tpu.memory_space<semaphore_mem>>) src(%dma_wait3A_82 : memref<100000xf32, #tpu.memory_space<hbm>>) dst(%arg6 : memref<100000xf32, #tpu.memory_space<vmem>>)
        tpu.yield
      }) : () -> ()
      %scan3A = arith.constant 0 : i32
      %scan3A_68 = arith.constant 0 : i32
      %scan3A_69 = arith.constant 64 : i32
      %scan3A_70 = arith.addi %scan3A_68, %scan3A_69 : i32
      %scan3A_71 = arith.constant 1 : i32
      scf.for %scan3A_73 = %scan3A_68 to %scan3A_70 step %scan3A_71  : i32 {
        %mul3A_74 = arith.constant 16 : i32
        %mul3A_75 = arith.muli %scan3A_73, %mul3A_74 : i32
        %get3A = arith.index_cast %mul3A_75 : i32 to index
        %get3A_76 = tpu.vector_load %arg5[%get3A] {strides = array<i32>} : memref<1024xi32, #tpu.memory_space<vmem>>, vector<16xi32>,
        %gather3A = tpu.vector_load_idx %arg6[%get3A_76] : memref<100000xf32, #tpu.memory_space<vmem>>[vector<16xi32>], vector<16xf32>,
        %mul3A_77 = arith.constant 16 : i32
        %mul3A_78 = arith.muli %scan3A_73, %mul3A_77 : i32
        %swap3A = arith.index_cast %mul3A_78 : i32 to index
        %swap3A_79 = tpu.vector_load %arg7[%swap3A] {strides = array<i32>} : memref<1024xf32, #tpu.memory_space<vmem>>, vector<16xf32>,
        tpu.vector_store %arg7[%swap3A], %gather3A {strides = array<i32>} : memref<1024xf32, #tpu.memory_space<vmem>>, vector<16xf32>,
      }
      %scan3A_72 = arith.constant 64 : i32
      "tpu.region"() ({
        %run_scoped3A = tpu.sem_alloc : memref<!tpu.dma_semaphore, #tpu.memory_space<semaphore_mem>>
        %dma_start3A = arith.constant 0 : i32
        %dma_start3A_73 = tpu.memref_slice %arg4[%add3A_6, %dma_start3A] : memref<300x1024xf32, #tpu.memory_space<hbm>> -> memref<1x1024xf32, #tpu.memory_space<hbm>>
        %dma_start3A_74 = tpu.memref_squeeze %dma_start3A_73 : memref<1x1024xf32, #tpu.memory_space<hbm>> -> memref<1024xf32, #tpu.memory_space<hbm>>
        %dma_start3A_75 = arith.constant 0 : i32
        %dma_start3A_76 = tpu.memref_slice %arg4[%add3A_6, %dma_start3A_75] : memref<300x1024xf32, #tpu.memory_space<hbm>> -> memref<1x1024xf32, #tpu.memory_space<hbm>>
        %dma_start3A_77 = tpu.memref_squeeze %dma_start3A_76 : memref<1x1024xf32, #tpu.memory_space<hbm>> -> memref<1024xf32, #tpu.memory_space<hbm>>
        tpu.enqueue_dma source(%arg7 : memref<1024xf32, #tpu.memory_space<vmem>>) target(%dma_start3A_77 : memref<1024xf32, #tpu.memory_space<hbm>>) target_semaphore(%run_scoped3A : memref<!tpu.dma_semaphore, #tpu.memory_space<semaphore_mem>>)
        %dma_wait3A = arith.constant 0 : i32
        %dma_wait3A_78 = tpu.memref_slice %arg4[%add3A_6, %dma_wait3A] : memref<300x1024xf32, #tpu.memory_space<hbm>> -> memref<1x1024xf32, #tpu.memory_space<hbm>>
        %dma_wait3A_79 = tpu.memref_squeeze %dma_wait3A_78 : memref<1x1024xf32, #tpu.memory_space<hbm>> -> memref<1024xf32, #tpu.memory_space<hbm>>
        %dma_wait3A_80 = arith.constant 0 : i32
        %dma_wait3A_81 = tpu.memref_slice %arg4[%add3A_6, %dma_wait3A_80] : memref<300x1024xf32, #tpu.memory_space<hbm>> -> memref<1x1024xf32, #tpu.memory_space<hbm>>
        %dma_wait3A_82 = tpu.memref_squeeze %dma_wait3A_81 : memref<1x1024xf32, #tpu.memory_space<hbm>> -> memref<1024xf32, #tpu.memory_space<hbm>>
        tpu.wait_dma2 semaphore(%run_scoped3A : memref<!tpu.dma_semaphore, #tpu.memory_space<semaphore_mem>>) src(%arg7 : memref<1024xf32, #tpu.memory_space<vmem>>) dst(%dma_wait3A_82 : memref<1024xf32, #tpu.memory_space<hbm>>)
        tpu.yield
      }) : () -> ()
    } else {
    }
    %add3A_12 = arith.constant 64 : i32
    %add3A_13 = arith.addi %add3A, %add3A_12 : i32
    %lt3A_14 = arith.constant 300 : i32
    %lt3A_15 = arith.cmpi slt, %add3A_13, %lt3A_14 : i32
    %convert_element_type3A_16 = arith.extui %lt3A_15 : i1 to i32
    %cond3A_17 = arith.constant 0 : i32
    %cond3A_18 = arith.cmpi ne, %convert_element_type3A_16, %cond3A_17 : i32
    scf.if %cond3A_18 {
      "tpu.region"() ({
        %run_scoped3A = tpu.sem_alloc : memref<!tpu.dma_semaphore, #tpu.memory_space<semaphore_mem>>
        %dma_start3A = arith.constant 0 : i32
        %dma_start3A_73 = tpu.memref_slice %arg2[%add3A_13, %dma_start3A] : memref<300x100000xf32, #tpu.memory_space<hbm>> -> memref<1x100000xf32, #tpu.memory_space<hbm>>
        %dma_start3A_74 = tpu.memref_squeeze %dma_start3A_73 : memref<1x100000xf32, #tpu.memory_space<hbm>> -> memref<100000xf32, #tpu.memory_space<hbm>>
        %dma_start3A_75 = arith.constant 0 : i32
        %dma_start3A_76 = tpu.memref_slice %arg2[%add3A_13, %dma_start3A_75] : memref<300x100000xf32, #tpu.memory_space<hbm>> -> memref<1x100000xf32, #tpu.memory_space<hbm>>
        %dma_start3A_77 = tpu.memref_squeeze %dma_start3A_76 : memref<1x100000xf32, #tpu.memory_space<hbm>> -> memref<100000xf32, #tpu.memory_space<hbm>>
        tpu.enqueue_dma source(%dma_start3A_77 : memref<100000xf32, #tpu.memory_space<hbm>>) target(%arg6 : memref<100000xf32, #tpu.memory_space<vmem>>) target_semaphore(%run_scoped3A : memref<!tpu.dma_semaphore, #tpu.memory_space<semaphore_mem>>)
        %dma_wait3A = arith.constant 0 : i32
        %dma_wait3A_78 = tpu.memref_slice %arg2[%add3A_13, %dma_wait3A] : memref<300x100000xf32, #tpu.memory_space<hbm>> -> memref<1x100000xf32, #tpu.memory_space<hbm>>
        %dma_wait3A_79 = tpu.memref_squeeze %dma_wait3A_78 : memref<1x100000xf32, #tpu.memory_space<hbm>> -> memref<100000xf32, #tpu.memory_space<hbm>>
        %dma_wait3A_80 = arith.constant 0 : i32
        %dma_wait3A_81 = tpu.memref_slice %arg2[%add3A_13, %dma_wait3A_80] : memref<300x100000xf32, #tpu.memory_space<hbm>> -> memref<1x100000xf32, #tpu.memory_space<hbm>>
        %dma_wait3A_82 = tpu.memref_squeeze %dma_wait3A_81 : memref<1x100000xf32, #tpu.memory_space<hbm>> -> memref<100000xf32, #tpu.memory_space<hbm>>
        tpu.wait_dma2 semaphore(%run_scoped3A : memref<!tpu.dma_semaphore, #tpu.memory_space<semaphore_mem>>) src(%dma_wait3A_82 : memref<100000xf32, #tpu.memory_space<hbm>>) dst(%arg6 : memref<100000xf32, #tpu.memory_space<vmem>>)
        tpu.yield
      }) : () -> ()
      %scan3A = arith.constant 0 : i32
      %scan3A_68 = arith.constant 0 : i32
      %scan3A_69 = arith.constant 64 : i32
      %scan3A_70 = arith.addi %scan3A_68, %scan3A_69 : i32
      %scan3A_71 = arith.constant 1 : i32
      scf.for %scan3A_73 = %scan3A_68 to %scan3A_70 step %scan3A_71  : i32 {
        %mul3A_74 = arith.constant 16 : i32
        %mul3A_75 = arith.muli %scan3A_73, %mul3A_74 : i32
        %get3A = arith.index_cast %mul3A_75 : i32 to index
        %get3A_76 = tpu.vector_load %arg5[%get3A] {strides = array<i32>} : memref<1024xi32, #tpu.memory_space<vmem>>, vector<16xi32>,
        %gather3A = tpu.vector_load_idx %arg6[%get3A_76] : memref<100000xf32, #tpu.memory_space<vmem>>[vector<16xi32>], vector<16xf32>,
        %mul3A_77 = arith.constant 16 : i32
        %mul3A_78 = arith.muli %scan3A_73, %mul3A_77 : i32
        %swap3A = arith.index_cast %mul3A_78 : i32 to index
        %swap3A_79 = tpu.vector_load %arg7[%swap3A] {strides = array<i32>} : memref<1024xf32, #tpu.memory_space<vmem>>, vector<16xf32>,
        tpu.vector_store %arg7[%swap3A], %gather3A {strides = array<i32>} : memref<1024xf32, #tpu.memory_space<vmem>>, vector<16xf32>,
      }
      %scan3A_72 = arith.constant 64 : i32
      "tpu.region"() ({
        %run_scoped3A = tpu.sem_alloc : memref<!tpu.dma_semaphore, #tpu.memory_space<semaphore_mem>>
        %dma_start3A = arith.constant 0 : i32
        %dma_start3A_73 = tpu.memref_slice %arg4[%add3A_13, %dma_start3A] : memref<300x1024xf32, #tpu.memory_space<hbm>> -> memref<1x1024xf32, #tpu.memory_space<hbm>>
        %dma_start3A_74 = tpu.memref_squeeze %dma_start3A_73 : memref<1x1024xf32, #tpu.memory_space<hbm>> -> memref<1024xf32, #tpu.memory_space<hbm>>
        %dma_start3A_75 = arith.constant 0 : i32
        %dma_start3A_76 = tpu.memref_slice %arg4[%add3A_13, %dma_start3A_75] : memref<300x1024xf32, #tpu.memory_space<hbm>> -> memref<1x1024xf32, #tpu.memory_space<hbm>>
        %dma_start3A_77 = tpu.memref_squeeze %dma_start3A_76 : memref<1x1024xf32, #tpu.memory_space<hbm>> -> memref<1024xf32, #tpu.memory_space<hbm>>
        tpu.enqueue_dma source(%arg7 : memref<1024xf32, #tpu.memory_space<vmem>>) target(%dma_start3A_77 : memref<1024xf32, #tpu.memory_space<hbm>>) target_semaphore(%run_scoped3A : memref<!tpu.dma_semaphore, #tpu.memory_space<semaphore_mem>>)
        %dma_wait3A = arith.constant 0 : i32
        %dma_wait3A_78 = tpu.memref_slice %arg4[%add3A_13, %dma_wait3A] : memref<300x1024xf32, #tpu.memory_space<hbm>> -> memref<1x1024xf32, #tpu.memory_space<hbm>>
        %dma_wait3A_79 = tpu.memref_squeeze %dma_wait3A_78 : memref<1x1024xf32, #tpu.memory_space<hbm>> -> memref<1024xf32, #tpu.memory_space<hbm>>
        %dma_wait3A_80 = arith.constant 0 : i32
        %dma_wait3A_81 = tpu.memref_slice %arg4[%add3A_13, %dma_wait3A_80] : memref<300x1024xf32, #tpu.memory_space<hbm>> -> memref<1x1024xf32, #tpu.memory_space<hbm>>
        %dma_wait3A_82 = tpu.memref_squeeze %dma_wait3A_81 : memref<1x1024xf32, #tpu.memory_space<hbm>> -> memref<1024xf32, #tpu.memory_space<hbm>>
        tpu.wait_dma2 semaphore(%run_scoped3A : memref<!tpu.dma_semaphore, #tpu.memory_space<semaphore_mem>>) src(%arg7 : memref<1024xf32, #tpu.memory_space<vmem>>) dst(%dma_wait3A_82 : memref<1024xf32, #tpu.memory_space<hbm>>)
        tpu.yield
      }) : () -> ()
    } else {
    }
    %add3A_19 = arith.constant 96 : i32
    %add3A_20 = arith.addi %add3A, %add3A_19 : i32
    %lt3A_21 = arith.constant 300 : i32
    %lt3A_22 = arith.cmpi slt, %add3A_20, %lt3A_21 : i32
    %convert_element_type3A_23 = arith.extui %lt3A_22 : i1 to i32
    %cond3A_24 = arith.constant 0 : i32
    %cond3A_25 = arith.cmpi ne, %convert_element_type3A_23, %cond3A_24 : i32
    scf.if %cond3A_25 {
      "tpu.region"() ({
        %run_scoped3A = tpu.sem_alloc : memref<!tpu.dma_semaphore, #tpu.memory_space<semaphore_mem>>
        %dma_start3A = arith.constant 0 : i32
        %dma_start3A_73 = tpu.memref_slice %arg2[%add3A_20, %dma_start3A] : memref<300x100000xf32, #tpu.memory_space<hbm>> -> memref<1x100000xf32, #tpu.memory_space<hbm>>
        %dma_start3A_74 = tpu.memref_squeeze %dma_start3A_73 : memref<1x100000xf32, #tpu.memory_space<hbm>> -> memref<100000xf32, #tpu.memory_space<hbm>>
        %dma_start3A_75 = arith.constant 0 : i32
        %dma_start3A_76 = tpu.memref_slice %arg2[%add3A_20, %dma_start3A_75] : memref<300x100000xf32, #tpu.memory_space<hbm>> -> memref<1x100000xf32, #tpu.memory_space<hbm>>
        %dma_start3A_77 = tpu.memref_squeeze %dma_start3A_76 : memref<1x100000xf32, #tpu.memory_space<hbm>> -> memref<100000xf32, #tpu.memory_space<hbm>>
        tpu.enqueue_dma source(%dma_start3A_77 : memref<100000xf32, #tpu.memory_space<hbm>>) target(%arg6 : memref<100000xf32, #tpu.memory_space<vmem>>) target_semaphore(%run_scoped3A : memref<!tpu.dma_semaphore, #tpu.memory_space<semaphore_mem>>)
        %dma_wait3A = arith.constant 0 : i32
        %dma_wait3A_78 = tpu.memref_slice %arg2[%add3A_20, %dma_wait3A] : memref<300x100000xf32, #tpu.memory_space<hbm>> -> memref<1x100000xf32, #tpu.memory_space<hbm>>
        %dma_wait3A_79 = tpu.memref_squeeze %dma_wait3A_78 : memref<1x100000xf32, #tpu.memory_space<hbm>> -> memref<100000xf32, #tpu.memory_space<hbm>>
        %dma_wait3A_80 = arith.constant 0 : i32
        %dma_wait3A_81 = tpu.memref_slice %arg2[%add3A_20, %dma_wait3A_80] : memref<300x100000xf32, #tpu.memory_space<hbm>> -> memref<1x100000xf32, #tpu.memory_space<hbm>>
        %dma_wait3A_82 = tpu.memref_squeeze %dma_wait3A_81 : memref<1x100000xf32, #tpu.memory_space<hbm>> -> memref<100000xf32, #tpu.memory_space<hbm>>
        tpu.wait_dma2 semaphore(%run_scoped3A : memref<!tpu.dma_semaphore, #tpu.memory_space<semaphore_mem>>) src(%dma_wait3A_82 : memref<100000xf32, #tpu.memory_space<hbm>>) dst(%arg6 : memref<100000xf32, #tpu.memory_space<vmem>>)
        tpu.yield
      }) : () -> ()
      %scan3A = arith.constant 0 : i32
      %scan3A_68 = arith.constant 0 : i32
      %scan3A_69 = arith.constant 64 : i32
      %scan3A_70 = arith.addi %scan3A_68, %scan3A_69 : i32
      %scan3A_71 = arith.constant 1 : i32
      scf.for %scan3A_73 = %scan3A_68 to %scan3A_70 step %scan3A_71  : i32 {
        %mul3A_74 = arith.constant 16 : i32
        %mul3A_75 = arith.muli %scan3A_73, %mul3A_74 : i32
        %get3A = arith.index_cast %mul3A_75 : i32 to index
        %get3A_76 = tpu.vector_load %arg5[%get3A] {strides = array<i32>} : memref<1024xi32, #tpu.memory_space<vmem>>, vector<16xi32>,
        %gather3A = tpu.vector_load_idx %arg6[%get3A_76] : memref<100000xf32, #tpu.memory_space<vmem>>[vector<16xi32>], vector<16xf32>,
        %mul3A_77 = arith.constant 16 : i32
        %mul3A_78 = arith.muli %scan3A_73, %mul3A_77 : i32
        %swap3A = arith.index_cast %mul3A_78 : i32 to index
        %swap3A_79 = tpu.vector_load %arg7[%swap3A] {strides = array<i32>} : memref<1024xf32, #tpu.memory_space<vmem>>, vector<16xf32>,
        tpu.vector_store %arg7[%swap3A], %gather3A {strides = array<i32>} : memref<1024xf32, #tpu.memory_space<vmem>>, vector<16xf32>,
      }
      %scan3A_72 = arith.constant 64 : i32
      "tpu.region"() ({
        %run_scoped3A = tpu.sem_alloc : memref<!tpu.dma_semaphore, #tpu.memory_space<semaphore_mem>>
        %dma_start3A = arith.constant 0 : i32
        %dma_start3A_73 = tpu.memref_slice %arg4[%add3A_20, %dma_start3A] : memref<300x1024xf32, #tpu.memory_space<hbm>> -> memref<1x1024xf32, #tpu.memory_space<hbm>>
        %dma_start3A_74 = tpu.memref_squeeze %dma_start3A_73 : memref<1x1024xf32, #tpu.memory_space<hbm>> -> memref<1024xf32, #tpu.memory_space<hbm>>
        %dma_start3A_75 = arith.constant 0 : i32
        %dma_start3A_76 = tpu.memref_slice %arg4[%add3A_20, %dma_start3A_75] : memref<300x1024xf32, #tpu.memory_space<hbm>> -> memref<1x1024xf32, #tpu.memory_space<hbm>>
        %dma_start3A_77 = tpu.memref_squeeze %dma_start3A_76 : memref<1x1024xf32, #tpu.memory_space<hbm>> -> memref<1024xf32, #tpu.memory_space<hbm>>
        tpu.enqueue_dma source(%arg7 : memref<1024xf32, #tpu.memory_space<vmem>>) target(%dma_start3A_77 : memref<1024xf32, #tpu.memory_space<hbm>>) target_semaphore(%run_scoped3A : memref<!tpu.dma_semaphore, #tpu.memory_space<semaphore_mem>>)
        %dma_wait3A = arith.constant 0 : i32
        %dma_wait3A_78 = tpu.memref_slice %arg4[%add3A_20, %dma_wait3A] : memref<300x1024xf32, #tpu.memory_space<hbm>> -> memref<1x1024xf32, #tpu.memory_space<hbm>>
        %dma_wait3A_79 = tpu.memref_squeeze %dma_wait3A_78 : memref<1x1024xf32, #tpu.memory_space<hbm>> -> memref<1024xf32, #tpu.memory_space<hbm>>
        %dma_wait3A_80 = arith.constant 0 : i32
        %dma_wait3A_81 = tpu.memref_slice %arg4[%add3A_20, %dma_wait3A_80] : memref<300x1024xf32, #tpu.memory_space<hbm>> -> memref<1x1024xf32, #tpu.memory_space<hbm>>
        %dma_wait3A_82 = tpu.memref_squeeze %dma_wait3A_81 : memref<1x1024xf32, #tpu.memory_space<hbm>> -> memref<1024xf32, #tpu.memory_space<hbm>>
        tpu.wait_dma2 semaphore(%run_scoped3A : memref<!tpu.dma_semaphore, #tpu.memory_space<semaphore_mem>>) src(%arg7 : memref<1024xf32, #tpu.memory_space<vmem>>) dst(%dma_wait3A_82 : memref<1024xf32, #tpu.memory_space<hbm>>)
        tpu.yield
      }) : () -> ()
    } else {
    }
    %add3A_26 = arith.constant 128 : i32
    %add3A_27 = arith.addi %add3A, %add3A_26 : i32
    %lt3A_28 = arith.constant 300 : i32
    %lt3A_29 = arith.cmpi slt, %add3A_27, %lt3A_28 : i32
    %convert_element_type3A_30 = arith.extui %lt3A_29 : i1 to i32
    %cond3A_31 = arith.constant 0 : i32
    %cond3A_32 = arith.cmpi ne, %convert_element_type3A_30, %cond3A_31 : i32
    scf.if %cond3A_32 {
      "tpu.region"() ({
        %run_scoped3A = tpu.sem_alloc : memref<!tpu.dma_semaphore, #tpu.memory_space<semaphore_mem>>
        %dma_start3A = arith.constant 0 : i32
        %dma_start3A_73 = tpu.memref_slice %arg2[%add3A_27, %dma_start3A] : memref<300x100000xf32, #tpu.memory_space<hbm>> -> memref<1x100000xf32, #tpu.memory_space<hbm>>
        %dma_start3A_74 = tpu.memref_squeeze %dma_start3A_73 : memref<1x100000xf32, #tpu.memory_space<hbm>> -> memref<100000xf32, #tpu.memory_space<hbm>>
        %dma_start3A_75 = arith.constant 0 : i32
        %dma_start3A_76 = tpu.memref_slice %arg2[%add3A_27, %dma_start3A_75] : memref<300x100000xf32, #tpu.memory_space<hbm>> -> memref<1x100000xf32, #tpu.memory_space<hbm>>
        %dma_start3A_77 = tpu.memref_squeeze %dma_start3A_76 : memref<1x100000xf32, #tpu.memory_space<hbm>> -> memref<100000xf32, #tpu.memory_space<hbm>>
        tpu.enqueue_dma source(%dma_start3A_77 : memref<100000xf32, #tpu.memory_space<hbm>>) target(%arg6 : memref<100000xf32, #tpu.memory_space<vmem>>) target_semaphore(%run_scoped3A : memref<!tpu.dma_semaphore, #tpu.memory_space<semaphore_mem>>)
        %dma_wait3A = arith.constant 0 : i32
        %dma_wait3A_78 = tpu.memref_slice %arg2[%add3A_27, %dma_wait3A] : memref<300x100000xf32, #tpu.memory_space<hbm>> -> memref<1x100000xf32, #tpu.memory_space<hbm>>
        %dma_wait3A_79 = tpu.memref_squeeze %dma_wait3A_78 : memref<1x100000xf32, #tpu.memory_space<hbm>> -> memref<100000xf32, #tpu.memory_space<hbm>>
        %dma_wait3A_80 = arith.constant 0 : i32
        %dma_wait3A_81 = tpu.memref_slice %arg2[%add3A_27, %dma_wait3A_80] : memref<300x100000xf32, #tpu.memory_space<hbm>> -> memref<1x100000xf32, #tpu.memory_space<hbm>>
        %dma_wait3A_82 = tpu.memref_squeeze %dma_wait3A_81 : memref<1x100000xf32, #tpu.memory_space<hbm>> -> memref<100000xf32, #tpu.memory_space<hbm>>
        tpu.wait_dma2 semaphore(%run_scoped3A : memref<!tpu.dma_semaphore, #tpu.memory_space<semaphore_mem>>) src(%dma_wait3A_82 : memref<100000xf32, #tpu.memory_space<hbm>>) dst(%arg6 : memref<100000xf32, #tpu.memory_space<vmem>>)
        tpu.yield
      }) : () -> ()
      %scan3A = arith.constant 0 : i32
      %scan3A_68 = arith.constant 0 : i32
      %scan3A_69 = arith.constant 64 : i32
      %scan3A_70 = arith.addi %scan3A_68, %scan3A_69 : i32
      %scan3A_71 = arith.constant 1 : i32
      scf.for %scan3A_73 = %scan3A_68 to %scan3A_70 step %scan3A_71  : i32 {
        %mul3A_74 = arith.constant 16 : i32
        %mul3A_75 = arith.muli %scan3A_73, %mul3A_74 : i32
        %get3A = arith.index_cast %mul3A_75 : i32 to index
        %get3A_76 = tpu.vector_load %arg5[%get3A] {strides = array<i32>} : memref<1024xi32, #tpu.memory_space<vmem>>, vector<16xi32>,
        %gather3A = tpu.vector_load_idx %arg6[%get3A_76] : memref<100000xf32, #tpu.memory_space<vmem>>[vector<16xi32>], vector<16xf32>,
        %mul3A_77 = arith.constant 16 : i32
        %mul3A_78 = arith.muli %scan3A_73, %mul3A_77 : i32
        %swap3A = arith.index_cast %mul3A_78 : i32 to index
        %swap3A_79 = tpu.vector_load %arg7[%swap3A] {strides = array<i32>} : memref<1024xf32, #tpu.memory_space<vmem>>, vector<16xf32>,
        tpu.vector_store %arg7[%swap3A], %gather3A {strides = array<i32>} : memref<1024xf32, #tpu.memory_space<vmem>>, vector<16xf32>,
      }
      %scan3A_72 = arith.constant 64 : i32
      "tpu.region"() ({
        %run_scoped3A = tpu.sem_alloc : memref<!tpu.dma_semaphore, #tpu.memory_space<semaphore_mem>>
        %dma_start3A = arith.constant 0 : i32
        %dma_start3A_73 = tpu.memref_slice %arg4[%add3A_27, %dma_start3A] : memref<300x1024xf32, #tpu.memory_space<hbm>> -> memref<1x1024xf32, #tpu.memory_space<hbm>>
        %dma_start3A_74 = tpu.memref_squeeze %dma_start3A_73 : memref<1x1024xf32, #tpu.memory_space<hbm>> -> memref<1024xf32, #tpu.memory_space<hbm>>
        %dma_start3A_75 = arith.constant 0 : i32
        %dma_start3A_76 = tpu.memref_slice %arg4[%add3A_27, %dma_start3A_75] : memref<300x1024xf32, #tpu.memory_space<hbm>> -> memref<1x1024xf32, #tpu.memory_space<hbm>>
        %dma_start3A_77 = tpu.memref_squeeze %dma_start3A_76 : memref<1x1024xf32, #tpu.memory_space<hbm>> -> memref<1024xf32, #tpu.memory_space<hbm>>
        tpu.enqueue_dma source(%arg7 : memref<1024xf32, #tpu.memory_space<vmem>>) target(%dma_start3A_77 : memref<1024xf32, #tpu.memory_space<hbm>>) target_semaphore(%run_scoped3A : memref<!tpu.dma_semaphore, #tpu.memory_space<semaphore_mem>>)
        %dma_wait3A = arith.constant 0 : i32
        %dma_wait3A_78 = tpu.memref_slice %arg4[%add3A_27, %dma_wait3A] : memref<300x1024xf32, #tpu.memory_space<hbm>> -> memref<1x1024xf32, #tpu.memory_space<hbm>>
        %dma_wait3A_79 = tpu.memref_squeeze %dma_wait3A_78 : memref<1x1024xf32, #tpu.memory_space<hbm>> -> memref<1024xf32, #tpu.memory_space<hbm>>
        %dma_wait3A_80 = arith.constant 0 : i32
        %dma_wait3A_81 = tpu.memref_slice %arg4[%add3A_27, %dma_wait3A_80] : memref<300x1024xf32, #tpu.memory_space<hbm>> -> memref<1x1024xf32, #tpu.memory_space<hbm>>
        %dma_wait3A_82 = tpu.memref_squeeze %dma_wait3A_81 : memref<1x1024xf32, #tpu.memory_space<hbm>> -> memref<1024xf32, #tpu.memory_space<hbm>>
        tpu.wait_dma2 semaphore(%run_scoped3A : memref<!tpu.dma_semaphore, #tpu.memory_space<semaphore_mem>>) src(%arg7 : memref<1024xf32, #tpu.memory_space<vmem>>) dst(%dma_wait3A_82 : memref<1024xf32, #tpu.memory_space<hbm>>)
        tpu.yield
      }) : () -> ()
    } else {
    }
    %add3A_33 = arith.constant 160 : i32
    %add3A_34 = arith.addi %add3A, %add3A_33 : i32
    %lt3A_35 = arith.constant 300 : i32
    %lt3A_36 = arith.cmpi slt, %add3A_34, %lt3A_35 : i32
    %convert_element_type3A_37 = arith.extui %lt3A_36 : i1 to i32
    %cond3A_38 = arith.constant 0 : i32
    %cond3A_39 = arith.cmpi ne, %convert_element_type3A_37, %cond3A_38 : i32
    scf.if %cond3A_39 {
      "tpu.region"() ({
        %run_scoped3A = tpu.sem_alloc : memref<!tpu.dma_semaphore, #tpu.memory_space<semaphore_mem>>
        %dma_start3A = arith.constant 0 : i32
        %dma_start3A_73 = tpu.memref_slice %arg2[%add3A_34, %dma_start3A] : memref<300x100000xf32, #tpu.memory_space<hbm>> -> memref<1x100000xf32, #tpu.memory_space<hbm>>
        %dma_start3A_74 = tpu.memref_squeeze %dma_start3A_73 : memref<1x100000xf32, #tpu.memory_space<hbm>> -> memref<100000xf32, #tpu.memory_space<hbm>>
        %dma_start3A_75 = arith.constant 0 : i32
        %dma_start3A_76 = tpu.memref_slice %arg2[%add3A_34, %dma_start3A_75] : memref<300x100000xf32, #tpu.memory_space<hbm>> -> memref<1x100000xf32, #tpu.memory_space<hbm>>
        %dma_start3A_77 = tpu.memref_squeeze %dma_start3A_76 : memref<1x100000xf32, #tpu.memory_space<hbm>> -> memref<100000xf32, #tpu.memory_space<hbm>>
        tpu.enqueue_dma source(%dma_start3A_77 : memref<100000xf32, #tpu.memory_space<hbm>>) target(%arg6 : memref<100000xf32, #tpu.memory_space<vmem>>) target_semaphore(%run_scoped3A : memref<!tpu.dma_semaphore, #tpu.memory_space<semaphore_mem>>)
        %dma_wait3A = arith.constant 0 : i32
        %dma_wait3A_78 = tpu.memref_slice %arg2[%add3A_34, %dma_wait3A] : memref<300x100000xf32, #tpu.memory_space<hbm>> -> memref<1x100000xf32, #tpu.memory_space<hbm>>
        %dma_wait3A_79 = tpu.memref_squeeze %dma_wait3A_78 : memref<1x100000xf32, #tpu.memory_space<hbm>> -> memref<100000xf32, #tpu.memory_space<hbm>>
        %dma_wait3A_80 = arith.constant 0 : i32
        %dma_wait3A_81 = tpu.memref_slice %arg2[%add3A_34, %dma_wait3A_80] : memref<300x100000xf32, #tpu.memory_space<hbm>> -> memref<1x100000xf32, #tpu.memory_space<hbm>>
        %dma_wait3A_82 = tpu.memref_squeeze %dma_wait3A_81 : memref<1x100000xf32, #tpu.memory_space<hbm>> -> memref<100000xf32, #tpu.memory_space<hbm>>
        tpu.wait_dma2 semaphore(%run_scoped3A : memref<!tpu.dma_semaphore, #tpu.memory_space<semaphore_mem>>) src(%dma_wait3A_82 : memref<100000xf32, #tpu.memory_space<hbm>>) dst(%arg6 : memref<100000xf32, #tpu.memory_space<vmem>>)
        tpu.yield
      }) : () -> ()
      %scan3A = arith.constant 0 : i32
      %scan3A_68 = arith.constant 0 : i32
      %scan3A_69 = arith.constant 64 : i32
      %scan3A_70 = arith.addi %scan3A_68, %scan3A_69 : i32
      %scan3A_71 = arith.constant 1 : i32
      scf.for %scan3A_73 = %scan3A_68 to %scan3A_70 step %scan3A_71  : i32 {
        %mul3A_74 = arith.constant 16 : i32
        %mul3A_75 = arith.muli %scan3A_73, %mul3A_74 : i32
        %get3A = arith.index_cast %mul3A_75 : i32 to index
        %get3A_76 = tpu.vector_load %arg5[%get3A] {strides = array<i32>} : memref<1024xi32, #tpu.memory_space<vmem>>, vector<16xi32>,
        %gather3A = tpu.vector_load_idx %arg6[%get3A_76] : memref<100000xf32, #tpu.memory_space<vmem>>[vector<16xi32>], vector<16xf32>,
        %mul3A_77 = arith.constant 16 : i32
        %mul3A_78 = arith.muli %scan3A_73, %mul3A_77 : i32
        %swap3A = arith.index_cast %mul3A_78 : i32 to index
        %swap3A_79 = tpu.vector_load %arg7[%swap3A] {strides = array<i32>} : memref<1024xf32, #tpu.memory_space<vmem>>, vector<16xf32>,
        tpu.vector_store %arg7[%swap3A], %gather3A {strides = array<i32>} : memref<1024xf32, #tpu.memory_space<vmem>>, vector<16xf32>,
      }
      %scan3A_72 = arith.constant 64 : i32
      "tpu.region"() ({
        %run_scoped3A = tpu.sem_alloc : memref<!tpu.dma_semaphore, #tpu.memory_space<semaphore_mem>>
        %dma_start3A = arith.constant 0 : i32
        %dma_start3A_73 = tpu.memref_slice %arg4[%add3A_34, %dma_start3A] : memref<300x1024xf32, #tpu.memory_space<hbm>> -> memref<1x1024xf32, #tpu.memory_space<hbm>>
        %dma_start3A_74 = tpu.memref_squeeze %dma_start3A_73 : memref<1x1024xf32, #tpu.memory_space<hbm>> -> memref<1024xf32, #tpu.memory_space<hbm>>
        %dma_start3A_75 = arith.constant 0 : i32
        %dma_start3A_76 = tpu.memref_slice %arg4[%add3A_34, %dma_start3A_75] : memref<300x1024xf32, #tpu.memory_space<hbm>> -> memref<1x1024xf32, #tpu.memory_space<hbm>>
        %dma_start3A_77 = tpu.memref_squeeze %dma_start3A_76 : memref<1x1024xf32, #tpu.memory_space<hbm>> -> memref<1024xf32, #tpu.memory_space<hbm>>
        tpu.enqueue_dma source(%arg7 : memref<1024xf32, #tpu.memory_space<vmem>>) target(%dma_start3A_77 : memref<1024xf32, #tpu.memory_space<hbm>>) target_semaphore(%run_scoped3A : memref<!tpu.dma_semaphore, #tpu.memory_space<semaphore_mem>>)
        %dma_wait3A = arith.constant 0 : i32
        %dma_wait3A_78 = tpu.memref_slice %arg4[%add3A_34, %dma_wait3A] : memref<300x1024xf32, #tpu.memory_space<hbm>> -> memref<1x1024xf32, #tpu.memory_space<hbm>>
        %dma_wait3A_79 = tpu.memref_squeeze %dma_wait3A_78 : memref<1x1024xf32, #tpu.memory_space<hbm>> -> memref<1024xf32, #tpu.memory_space<hbm>>
        %dma_wait3A_80 = arith.constant 0 : i32
        %dma_wait3A_81 = tpu.memref_slice %arg4[%add3A_34, %dma_wait3A_80] : memref<300x1024xf32, #tpu.memory_space<hbm>> -> memref<1x1024xf32, #tpu.memory_space<hbm>>
        %dma_wait3A_82 = tpu.memref_squeeze %dma_wait3A_81 : memref<1x1024xf32, #tpu.memory_space<hbm>> -> memref<1024xf32, #tpu.memory_space<hbm>>
        tpu.wait_dma2 semaphore(%run_scoped3A : memref<!tpu.dma_semaphore, #tpu.memory_space<semaphore_mem>>) src(%arg7 : memref<1024xf32, #tpu.memory_space<vmem>>) dst(%dma_wait3A_82 : memref<1024xf32, #tpu.memory_space<hbm>>)
        tpu.yield
      }) : () -> ()
    } else {
    }
    %add3A_40 = arith.constant 192 : i32
    %add3A_41 = arith.addi %add3A, %add3A_40 : i32
    %lt3A_42 = arith.constant 300 : i32
    %lt3A_43 = arith.cmpi slt, %add3A_41, %lt3A_42 : i32
    %convert_element_type3A_44 = arith.extui %lt3A_43 : i1 to i32
    %cond3A_45 = arith.constant 0 : i32
    %cond3A_46 = arith.cmpi ne, %convert_element_type3A_44, %cond3A_45 : i32
    scf.if %cond3A_46 {
      "tpu.region"() ({
        %run_scoped3A = tpu.sem_alloc : memref<!tpu.dma_semaphore, #tpu.memory_space<semaphore_mem>>
        %dma_start3A = arith.constant 0 : i32
        %dma_start3A_73 = tpu.memref_slice %arg2[%add3A_41, %dma_start3A] : memref<300x100000xf32, #tpu.memory_space<hbm>> -> memref<1x100000xf32, #tpu.memory_space<hbm>>
        %dma_start3A_74 = tpu.memref_squeeze %dma_start3A_73 : memref<1x100000xf32, #tpu.memory_space<hbm>> -> memref<100000xf32, #tpu.memory_space<hbm>>
        %dma_start3A_75 = arith.constant 0 : i32
        %dma_start3A_76 = tpu.memref_slice %arg2[%add3A_41, %dma_start3A_75] : memref<300x100000xf32, #tpu.memory_space<hbm>> -> memref<1x100000xf32, #tpu.memory_space<hbm>>
        %dma_start3A_77 = tpu.memref_squeeze %dma_start3A_76 : memref<1x100000xf32, #tpu.memory_space<hbm>> -> memref<100000xf32, #tpu.memory_space<hbm>>
        tpu.enqueue_dma source(%dma_start3A_77 : memref<100000xf32, #tpu.memory_space<hbm>>) target(%arg6 : memref<100000xf32, #tpu.memory_space<vmem>>) target_semaphore(%run_scoped3A : memref<!tpu.dma_semaphore, #tpu.memory_space<semaphore_mem>>)
        %dma_wait3A = arith.constant 0 : i32
        %dma_wait3A_78 = tpu.memref_slice %arg2[%add3A_41, %dma_wait3A] : memref<300x100000xf32, #tpu.memory_space<hbm>> -> memref<1x100000xf32, #tpu.memory_space<hbm>>
        %dma_wait3A_79 = tpu.memref_squeeze %dma_wait3A_78 : memref<1x100000xf32, #tpu.memory_space<hbm>> -> memref<100000xf32, #tpu.memory_space<hbm>>
        %dma_wait3A_80 = arith.constant 0 : i32
        %dma_wait3A_81 = tpu.memref_slice %arg2[%add3A_41, %dma_wait3A_80] : memref<300x100000xf32, #tpu.memory_space<hbm>> -> memref<1x100000xf32, #tpu.memory_space<hbm>>
        %dma_wait3A_82 = tpu.memref_squeeze %dma_wait3A_81 : memref<1x100000xf32, #tpu.memory_space<hbm>> -> memref<100000xf32, #tpu.memory_space<hbm>>
        tpu.wait_dma2 semaphore(%run_scoped3A : memref<!tpu.dma_semaphore, #tpu.memory_space<semaphore_mem>>) src(%dma_wait3A_82 : memref<100000xf32, #tpu.memory_space<hbm>>) dst(%arg6 : memref<100000xf32, #tpu.memory_space<vmem>>)
        tpu.yield
      }) : () -> ()
      %scan3A = arith.constant 0 : i32
      %scan3A_68 = arith.constant 0 : i32
      %scan3A_69 = arith.constant 64 : i32
      %scan3A_70 = arith.addi %scan3A_68, %scan3A_69 : i32
      %scan3A_71 = arith.constant 1 : i32
      scf.for %scan3A_73 = %scan3A_68 to %scan3A_70 step %scan3A_71  : i32 {
        %mul3A_74 = arith.constant 16 : i32
        %mul3A_75 = arith.muli %scan3A_73, %mul3A_74 : i32
        %get3A = arith.index_cast %mul3A_75 : i32 to index
        %get3A_76 = tpu.vector_load %arg5[%get3A] {strides = array<i32>} : memref<1024xi32, #tpu.memory_space<vmem>>, vector<16xi32>,
        %gather3A = tpu.vector_load_idx %arg6[%get3A_76] : memref<100000xf32, #tpu.memory_space<vmem>>[vector<16xi32>], vector<16xf32>,
        %mul3A_77 = arith.constant 16 : i32
        %mul3A_78 = arith.muli %scan3A_73, %mul3A_77 : i32
        %swap3A = arith.index_cast %mul3A_78 : i32 to index
        %swap3A_79 = tpu.vector_load %arg7[%swap3A] {strides = array<i32>} : memref<1024xf32, #tpu.memory_space<vmem>>, vector<16xf32>,
        tpu.vector_store %arg7[%swap3A], %gather3A {strides = array<i32>} : memref<1024xf32, #tpu.memory_space<vmem>>, vector<16xf32>,
      }
      %scan3A_72 = arith.constant 64 : i32
      "tpu.region"() ({
        %run_scoped3A = tpu.sem_alloc : memref<!tpu.dma_semaphore, #tpu.memory_space<semaphore_mem>>
        %dma_start3A = arith.constant 0 : i32
        %dma_start3A_73 = tpu.memref_slice %arg4[%add3A_41, %dma_start3A] : memref<300x1024xf32, #tpu.memory_space<hbm>> -> memref<1x1024xf32, #tpu.memory_space<hbm>>
        %dma_start3A_74 = tpu.memref_squeeze %dma_start3A_73 : memref<1x1024xf32, #tpu.memory_space<hbm>> -> memref<1024xf32, #tpu.memory_space<hbm>>
        %dma_start3A_75 = arith.constant 0 : i32
        %dma_start3A_76 = tpu.memref_slice %arg4[%add3A_41, %dma_start3A_75] : memref<300x1024xf32, #tpu.memory_space<hbm>> -> memref<1x1024xf32, #tpu.memory_space<hbm>>
        %dma_start3A_77 = tpu.memref_squeeze %dma_start3A_76 : memref<1x1024xf32, #tpu.memory_space<hbm>> -> memref<1024xf32, #tpu.memory_space<hbm>>
        tpu.enqueue_dma source(%arg7 : memref<1024xf32, #tpu.memory_space<vmem>>) target(%dma_start3A_77 : memref<1024xf32, #tpu.memory_space<hbm>>) target_semaphore(%run_scoped3A : memref<!tpu.dma_semaphore, #tpu.memory_space<semaphore_mem>>)
        %dma_wait3A = arith.constant 0 : i32
        %dma_wait3A_78 = tpu.memref_slice %arg4[%add3A_41, %dma_wait3A] : memref<300x1024xf32, #tpu.memory_space<hbm>> -> memref<1x1024xf32, #tpu.memory_space<hbm>>
        %dma_wait3A_79 = tpu.memref_squeeze %dma_wait3A_78 : memref<1x1024xf32, #tpu.memory_space<hbm>> -> memref<1024xf32, #tpu.memory_space<hbm>>
        %dma_wait3A_80 = arith.constant 0 : i32
        %dma_wait3A_81 = tpu.memref_slice %arg4[%add3A_41, %dma_wait3A_80] : memref<300x1024xf32, #tpu.memory_space<hbm>> -> memref<1x1024xf32, #tpu.memory_space<hbm>>
        %dma_wait3A_82 = tpu.memref_squeeze %dma_wait3A_81 : memref<1x1024xf32, #tpu.memory_space<hbm>> -> memref<1024xf32, #tpu.memory_space<hbm>>
        tpu.wait_dma2 semaphore(%run_scoped3A : memref<!tpu.dma_semaphore, #tpu.memory_space<semaphore_mem>>) src(%arg7 : memref<1024xf32, #tpu.memory_space<vmem>>) dst(%dma_wait3A_82 : memref<1024xf32, #tpu.memory_space<hbm>>)
        tpu.yield
      }) : () -> ()
    } else {
    }
    %add3A_47 = arith.constant 224 : i32
    %add3A_48 = arith.addi %add3A, %add3A_47 : i32
    %lt3A_49 = arith.constant 300 : i32
    %lt3A_50 = arith.cmpi slt, %add3A_48, %lt3A_49 : i32
    %convert_element_type3A_51 = arith.extui %lt3A_50 : i1 to i32
    %cond3A_52 = arith.constant 0 : i32
    %cond3A_53 = arith.cmpi ne, %convert_element_type3A_51, %cond3A_52 : i32
    scf.if %cond3A_53 {
      "tpu.region"() ({
        %run_scoped3A = tpu.sem_alloc : memref<!tpu.dma_semaphore, #tpu.memory_space<semaphore_mem>>
        %dma_start3A = arith.constant 0 : i32
        %dma_start3A_73 = tpu.memref_slice %arg2[%add3A_48, %dma_start3A] : memref<300x100000xf32, #tpu.memory_space<hbm>> -> memref<1x100000xf32, #tpu.memory_space<hbm>>
        %dma_start3A_74 = tpu.memref_squeeze %dma_start3A_73 : memref<1x100000xf32, #tpu.memory_space<hbm>> -> memref<100000xf32, #tpu.memory_space<hbm>>
        %dma_start3A_75 = arith.constant 0 : i32
        %dma_start3A_76 = tpu.memref_slice %arg2[%add3A_48, %dma_start3A_75] : memref<300x100000xf32, #tpu.memory_space<hbm>> -> memref<1x100000xf32, #tpu.memory_space<hbm>>
        %dma_start3A_77 = tpu.memref_squeeze %dma_start3A_76 : memref<1x100000xf32, #tpu.memory_space<hbm>> -> memref<100000xf32, #tpu.memory_space<hbm>>
        tpu.enqueue_dma source(%dma_start3A_77 : memref<100000xf32, #tpu.memory_space<hbm>>) target(%arg6 : memref<100000xf32, #tpu.memory_space<vmem>>) target_semaphore(%run_scoped3A : memref<!tpu.dma_semaphore, #tpu.memory_space<semaphore_mem>>)
        %dma_wait3A = arith.constant 0 : i32
        %dma_wait3A_78 = tpu.memref_slice %arg2[%add3A_48, %dma_wait3A] : memref<300x100000xf32, #tpu.memory_space<hbm>> -> memref<1x100000xf32, #tpu.memory_space<hbm>>
        %dma_wait3A_79 = tpu.memref_squeeze %dma_wait3A_78 : memref<1x100000xf32, #tpu.memory_space<hbm>> -> memref<100000xf32, #tpu.memory_space<hbm>>
        %dma_wait3A_80 = arith.constant 0 : i32
        %dma_wait3A_81 = tpu.memref_slice %arg2[%add3A_48, %dma_wait3A_80] : memref<300x100000xf32, #tpu.memory_space<hbm>> -> memref<1x100000xf32, #tpu.memory_space<hbm>>
        %dma_wait3A_82 = tpu.memref_squeeze %dma_wait3A_81 : memref<1x100000xf32, #tpu.memory_space<hbm>> -> memref<100000xf32, #tpu.memory_space<hbm>>
        tpu.wait_dma2 semaphore(%run_scoped3A : memref<!tpu.dma_semaphore, #tpu.memory_space<semaphore_mem>>) src(%dma_wait3A_82 : memref<100000xf32, #tpu.memory_space<hbm>>) dst(%arg6 : memref<100000xf32, #tpu.memory_space<vmem>>)
        tpu.yield
      }) : () -> ()
      %scan3A = arith.constant 0 : i32
      %scan3A_68 = arith.constant 0 : i32
      %scan3A_69 = arith.constant 64 : i32
      %scan3A_70 = arith.addi %scan3A_68, %scan3A_69 : i32
      %scan3A_71 = arith.constant 1 : i32
      scf.for %scan3A_73 = %scan3A_68 to %scan3A_70 step %scan3A_71  : i32 {
        %mul3A_74 = arith.constant 16 : i32
        %mul3A_75 = arith.muli %scan3A_73, %mul3A_74 : i32
        %get3A = arith.index_cast %mul3A_75 : i32 to index
        %get3A_76 = tpu.vector_load %arg5[%get3A] {strides = array<i32>} : memref<1024xi32, #tpu.memory_space<vmem>>, vector<16xi32>,
        %gather3A = tpu.vector_load_idx %arg6[%get3A_76] : memref<100000xf32, #tpu.memory_space<vmem>>[vector<16xi32>], vector<16xf32>,
        %mul3A_77 = arith.constant 16 : i32
        %mul3A_78 = arith.muli %scan3A_73, %mul3A_77 : i32
        %swap3A = arith.index_cast %mul3A_78 : i32 to index
        %swap3A_79 = tpu.vector_load %arg7[%swap3A] {strides = array<i32>} : memref<1024xf32, #tpu.memory_space<vmem>>, vector<16xf32>,
        tpu.vector_store %arg7[%swap3A], %gather3A {strides = array<i32>} : memref<1024xf32, #tpu.memory_space<vmem>>, vector<16xf32>,
      }
      %scan3A_72 = arith.constant 64 : i32
      "tpu.region"() ({
        %run_scoped3A = tpu.sem_alloc : memref<!tpu.dma_semaphore, #tpu.memory_space<semaphore_mem>>
        %dma_start3A = arith.constant 0 : i32
        %dma_start3A_73 = tpu.memref_slice %arg4[%add3A_48, %dma_start3A] : memref<300x1024xf32, #tpu.memory_space<hbm>> -> memref<1x1024xf32, #tpu.memory_space<hbm>>
        %dma_start3A_74 = tpu.memref_squeeze %dma_start3A_73 : memref<1x1024xf32, #tpu.memory_space<hbm>> -> memref<1024xf32, #tpu.memory_space<hbm>>
        %dma_start3A_75 = arith.constant 0 : i32
        %dma_start3A_76 = tpu.memref_slice %arg4[%add3A_48, %dma_start3A_75] : memref<300x1024xf32, #tpu.memory_space<hbm>> -> memref<1x1024xf32, #tpu.memory_space<hbm>>
        %dma_start3A_77 = tpu.memref_squeeze %dma_start3A_76 : memref<1x1024xf32, #tpu.memory_space<hbm>> -> memref<1024xf32, #tpu.memory_space<hbm>>
        tpu.enqueue_dma source(%arg7 : memref<1024xf32, #tpu.memory_space<vmem>>) target(%dma_start3A_77 : memref<1024xf32, #tpu.memory_space<hbm>>) target_semaphore(%run_scoped3A : memref<!tpu.dma_semaphore, #tpu.memory_space<semaphore_mem>>)
        %dma_wait3A = arith.constant 0 : i32
        %dma_wait3A_78 = tpu.memref_slice %arg4[%add3A_48, %dma_wait3A] : memref<300x1024xf32, #tpu.memory_space<hbm>> -> memref<1x1024xf32, #tpu.memory_space<hbm>>
        %dma_wait3A_79 = tpu.memref_squeeze %dma_wait3A_78 : memref<1x1024xf32, #tpu.memory_space<hbm>> -> memref<1024xf32, #tpu.memory_space<hbm>>
        %dma_wait3A_80 = arith.constant 0 : i32
        %dma_wait3A_81 = tpu.memref_slice %arg4[%add3A_48, %dma_wait3A_80] : memref<300x1024xf32, #tpu.memory_space<hbm>> -> memref<1x1024xf32, #tpu.memory_space<hbm>>
        %dma_wait3A_82 = tpu.memref_squeeze %dma_wait3A_81 : memref<1x1024xf32, #tpu.memory_space<hbm>> -> memref<1024xf32, #tpu.memory_space<hbm>>
        tpu.wait_dma2 semaphore(%run_scoped3A : memref<!tpu.dma_semaphore, #tpu.memory_space<semaphore_mem>>) src(%arg7 : memref<1024xf32, #tpu.memory_space<vmem>>) dst(%dma_wait3A_82 : memref<1024xf32, #tpu.memory_space<hbm>>)
        tpu.yield
      }) : () -> ()
    } else {
    }
    %add3A_54 = arith.constant 256 : i32
    %add3A_55 = arith.addi %add3A, %add3A_54 : i32
    %lt3A_56 = arith.constant 300 : i32
    %lt3A_57 = arith.cmpi slt, %add3A_55, %lt3A_56 : i32
    %convert_element_type3A_58 = arith.extui %lt3A_57 : i1 to i32
    %cond3A_59 = arith.constant 0 : i32
    %cond3A_60 = arith.cmpi ne, %convert_element_type3A_58, %cond3A_59 : i32
    scf.if %cond3A_60 {
      "tpu.region"() ({
        %run_scoped3A = tpu.sem_alloc : memref<!tpu.dma_semaphore, #tpu.memory_space<semaphore_mem>>
        %dma_start3A = arith.constant 0 : i32
        %dma_start3A_73 = tpu.memref_slice %arg2[%add3A_55, %dma_start3A] : memref<300x100000xf32, #tpu.memory_space<hbm>> -> memref<1x100000xf32, #tpu.memory_space<hbm>>
        %dma_start3A_74 = tpu.memref_squeeze %dma_start3A_73 : memref<1x100000xf32, #tpu.memory_space<hbm>> -> memref<100000xf32, #tpu.memory_space<hbm>>
        %dma_start3A_75 = arith.constant 0 : i32
        %dma_start3A_76 = tpu.memref_slice %arg2[%add3A_55, %dma_start3A_75] : memref<300x100000xf32, #tpu.memory_space<hbm>> -> memref<1x100000xf32, #tpu.memory_space<hbm>>
        %dma_start3A_77 = tpu.memref_squeeze %dma_start3A_76 : memref<1x100000xf32, #tpu.memory_space<hbm>> -> memref<100000xf32, #tpu.memory_space<hbm>>
        tpu.enqueue_dma source(%dma_start3A_77 : memref<100000xf32, #tpu.memory_space<hbm>>) target(%arg6 : memref<100000xf32, #tpu.memory_space<vmem>>) target_semaphore(%run_scoped3A : memref<!tpu.dma_semaphore, #tpu.memory_space<semaphore_mem>>)
        %dma_wait3A = arith.constant 0 : i32
        %dma_wait3A_78 = tpu.memref_slice %arg2[%add3A_55, %dma_wait3A] : memref<300x100000xf32, #tpu.memory_space<hbm>> -> memref<1x100000xf32, #tpu.memory_space<hbm>>
        %dma_wait3A_79 = tpu.memref_squeeze %dma_wait3A_78 : memref<1x100000xf32, #tpu.memory_space<hbm>> -> memref<100000xf32, #tpu.memory_space<hbm>>
        %dma_wait3A_80 = arith.constant 0 : i32
        %dma_wait3A_81 = tpu.memref_slice %arg2[%add3A_55, %dma_wait3A_80] : memref<300x100000xf32, #tpu.memory_space<hbm>> -> memref<1x100000xf32, #tpu.memory_space<hbm>>
        %dma_wait3A_82 = tpu.memref_squeeze %dma_wait3A_81 : memref<1x100000xf32, #tpu.memory_space<hbm>> -> memref<100000xf32, #tpu.memory_space<hbm>>
        tpu.wait_dma2 semaphore(%run_scoped3A : memref<!tpu.dma_semaphore, #tpu.memory_space<semaphore_mem>>) src(%dma_wait3A_82 : memref<100000xf32, #tpu.memory_space<hbm>>) dst(%arg6 : memref<100000xf32, #tpu.memory_space<vmem>>)
        tpu.yield
      }) : () -> ()
      %scan3A = arith.constant 0 : i32
      %scan3A_68 = arith.constant 0 : i32
      %scan3A_69 = arith.constant 64 : i32
      %scan3A_70 = arith.addi %scan3A_68, %scan3A_69 : i32
      %scan3A_71 = arith.constant 1 : i32
      scf.for %scan3A_73 = %scan3A_68 to %scan3A_70 step %scan3A_71  : i32 {
        %mul3A_74 = arith.constant 16 : i32
        %mul3A_75 = arith.muli %scan3A_73, %mul3A_74 : i32
        %get3A = arith.index_cast %mul3A_75 : i32 to index
        %get3A_76 = tpu.vector_load %arg5[%get3A] {strides = array<i32>} : memref<1024xi32, #tpu.memory_space<vmem>>, vector<16xi32>,
        %gather3A = tpu.vector_load_idx %arg6[%get3A_76] : memref<100000xf32, #tpu.memory_space<vmem>>[vector<16xi32>], vector<16xf32>,
        %mul3A_77 = arith.constant 16 : i32
        %mul3A_78 = arith.muli %scan3A_73, %mul3A_77 : i32
        %swap3A = arith.index_cast %mul3A_78 : i32 to index
        %swap3A_79 = tpu.vector_load %arg7[%swap3A] {strides = array<i32>} : memref<1024xf32, #tpu.memory_space<vmem>>, vector<16xf32>,
        tpu.vector_store %arg7[%swap3A], %gather3A {strides = array<i32>} : memref<1024xf32, #tpu.memory_space<vmem>>, vector<16xf32>,
      }
      %scan3A_72 = arith.constant 64 : i32
      "tpu.region"() ({
        %run_scoped3A = tpu.sem_alloc : memref<!tpu.dma_semaphore, #tpu.memory_space<semaphore_mem>>
        %dma_start3A = arith.constant 0 : i32
        %dma_start3A_73 = tpu.memref_slice %arg4[%add3A_55, %dma_start3A] : memref<300x1024xf32, #tpu.memory_space<hbm>> -> memref<1x1024xf32, #tpu.memory_space<hbm>>
        %dma_start3A_74 = tpu.memref_squeeze %dma_start3A_73 : memref<1x1024xf32, #tpu.memory_space<hbm>> -> memref<1024xf32, #tpu.memory_space<hbm>>
        %dma_start3A_75 = arith.constant 0 : i32
        %dma_start3A_76 = tpu.memref_slice %arg4[%add3A_55, %dma_start3A_75] : memref<300x1024xf32, #tpu.memory_space<hbm>> -> memref<1x1024xf32, #tpu.memory_space<hbm>>
        %dma_start3A_77 = tpu.memref_squeeze %dma_start3A_76 : memref<1x1024xf32, #tpu.memory_space<hbm>> -> memref<1024xf32, #tpu.memory_space<hbm>>
        tpu.enqueue_dma source(%arg7 : memref<1024xf32, #tpu.memory_space<vmem>>) target(%dma_start3A_77 : memref<1024xf32, #tpu.memory_space<hbm>>) target_semaphore(%run_scoped3A : memref<!tpu.dma_semaphore, #tpu.memory_space<semaphore_mem>>)
        %dma_wait3A = arith.constant 0 : i32
        %dma_wait3A_78 = tpu.memref_slice %arg4[%add3A_55, %dma_wait3A] : memref<300x1024xf32, #tpu.memory_space<hbm>> -> memref<1x1024xf32, #tpu.memory_space<hbm>>
        %dma_wait3A_79 = tpu.memref_squeeze %dma_wait3A_78 : memref<1x1024xf32, #tpu.memory_space<hbm>> -> memref<1024xf32, #tpu.memory_space<hbm>>
        %dma_wait3A_80 = arith.constant 0 : i32
        %dma_wait3A_81 = tpu.memref_slice %arg4[%add3A_55, %dma_wait3A_80] : memref<300x1024xf32, #tpu.memory_space<hbm>> -> memref<1x1024xf32, #tpu.memory_space<hbm>>
        %dma_wait3A_82 = tpu.memref_squeeze %dma_wait3A_81 : memref<1x1024xf32, #tpu.memory_space<hbm>> -> memref<1024xf32, #tpu.memory_space<hbm>>
        tpu.wait_dma2 semaphore(%run_scoped3A : memref<!tpu.dma_semaphore, #tpu.memory_space<semaphore_mem>>) src(%arg7 : memref<1024xf32, #tpu.memory_space<vmem>>) dst(%dma_wait3A_82 : memref<1024xf32, #tpu.memory_space<hbm>>)
        tpu.yield
      }) : () -> ()
    } else {
    }
    %add3A_61 = arith.constant 288 : i32
    %add3A_62 = arith.addi %add3A, %add3A_61 : i32
    %lt3A_63 = arith.constant 300 : i32
    %lt3A_64 = arith.cmpi slt, %add3A_62, %lt3A_63 : i32
    %convert_element_type3A_65 = arith.extui %lt3A_64 : i1 to i32
    %cond3A_66 = arith.constant 0 : i32
    %cond3A_67 = arith.cmpi ne, %convert_element_type3A_65, %cond3A_66 : i32
    scf.if %cond3A_67 {
      "tpu.region"() ({
        %run_scoped3A = tpu.sem_alloc : memref<!tpu.dma_semaphore, #tpu.memory_space<semaphore_mem>>
        %dma_start3A = arith.constant 0 : i32
        %dma_start3A_73 = tpu.memref_slice %arg2[%add3A_62, %dma_start3A] : memref<300x100000xf32, #tpu.memory_space<hbm>> -> memref<1x100000xf32, #tpu.memory_space<hbm>>
        %dma_start3A_74 = tpu.memref_squeeze %dma_start3A_73 : memref<1x100000xf32, #tpu.memory_space<hbm>> -> memref<100000xf32, #tpu.memory_space<hbm>>
        %dma_start3A_75 = arith.constant 0 : i32
        %dma_start3A_76 = tpu.memref_slice %arg2[%add3A_62, %dma_start3A_75] : memref<300x100000xf32, #tpu.memory_space<hbm>> -> memref<1x100000xf32, #tpu.memory_space<hbm>>
        %dma_start3A_77 = tpu.memref_squeeze %dma_start3A_76 : memref<1x100000xf32, #tpu.memory_space<hbm>> -> memref<100000xf32, #tpu.memory_space<hbm>>
        tpu.enqueue_dma source(%dma_start3A_77 : memref<100000xf32, #tpu.memory_space<hbm>>) target(%arg6 : memref<100000xf32, #tpu.memory_space<vmem>>) target_semaphore(%run_scoped3A : memref<!tpu.dma_semaphore, #tpu.memory_space<semaphore_mem>>)
        %dma_wait3A = arith.constant 0 : i32
        %dma_wait3A_78 = tpu.memref_slice %arg2[%add3A_62, %dma_wait3A] : memref<300x100000xf32, #tpu.memory_space<hbm>> -> memref<1x100000xf32, #tpu.memory_space<hbm>>
        %dma_wait3A_79 = tpu.memref_squeeze %dma_wait3A_78 : memref<1x100000xf32, #tpu.memory_space<hbm>> -> memref<100000xf32, #tpu.memory_space<hbm>>
        %dma_wait3A_80 = arith.constant 0 : i32
        %dma_wait3A_81 = tpu.memref_slice %arg2[%add3A_62, %dma_wait3A_80] : memref<300x100000xf32, #tpu.memory_space<hbm>> -> memref<1x100000xf32, #tpu.memory_space<hbm>>
        %dma_wait3A_82 = tpu.memref_squeeze %dma_wait3A_81 : memref<1x100000xf32, #tpu.memory_space<hbm>> -> memref<100000xf32, #tpu.memory_space<hbm>>
        tpu.wait_dma2 semaphore(%run_scoped3A : memref<!tpu.dma_semaphore, #tpu.memory_space<semaphore_mem>>) src(%dma_wait3A_82 : memref<100000xf32, #tpu.memory_space<hbm>>) dst(%arg6 : memref<100000xf32, #tpu.memory_space<vmem>>)
        tpu.yield
      }) : () -> ()
      %scan3A = arith.constant 0 : i32
      %scan3A_68 = arith.constant 0 : i32
      %scan3A_69 = arith.constant 64 : i32
      %scan3A_70 = arith.addi %scan3A_68, %scan3A_69 : i32
      %scan3A_71 = arith.constant 1 : i32
      scf.for %scan3A_73 = %scan3A_68 to %scan3A_70 step %scan3A_71  : i32 {
        %mul3A_74 = arith.constant 16 : i32
        %mul3A_75 = arith.muli %scan3A_73, %mul3A_74 : i32
        %get3A = arith.index_cast %mul3A_75 : i32 to index
        %get3A_76 = tpu.vector_load %arg5[%get3A] {strides = array<i32>} : memref<1024xi32, #tpu.memory_space<vmem>>, vector<16xi32>,
        %gather3A = tpu.vector_load_idx %arg6[%get3A_76] : memref<100000xf32, #tpu.memory_space<vmem>>[vector<16xi32>], vector<16xf32>,
        %mul3A_77 = arith.constant 16 : i32
        %mul3A_78 = arith.muli %scan3A_73, %mul3A_77 : i32
        %swap3A = arith.index_cast %mul3A_78 : i32 to index
        %swap3A_79 = tpu.vector_load %arg7[%swap3A] {strides = array<i32>} : memref<1024xf32, #tpu.memory_space<vmem>>, vector<16xf32>,
        tpu.vector_store %arg7[%swap3A], %gather3A {strides = array<i32>} : memref<1024xf32, #tpu.memory_space<vmem>>, vector<16xf32>,
      }
      %scan3A_72 = arith.constant 64 : i32
      "tpu.region"() ({
        %run_scoped3A = tpu.sem_alloc : memref<!tpu.dma_semaphore, #tpu.memory_space<semaphore_mem>>
        %dma_start3A = arith.constant 0 : i32
        %dma_start3A_73 = tpu.memref_slice %arg4[%add3A_62, %dma_start3A] : memref<300x1024xf32, #tpu.memory_space<hbm>> -> memref<1x1024xf32, #tpu.memory_space<hbm>>
        %dma_start3A_74 = tpu.memref_squeeze %dma_start3A_73 : memref<1x1024xf32, #tpu.memory_space<hbm>> -> memref<1024xf32, #tpu.memory_space<hbm>>
        %dma_start3A_75 = arith.constant 0 : i32
        %dma_start3A_76 = tpu.memref_slice %arg4[%add3A_62, %dma_start3A_75] : memref<300x1024xf32, #tpu.memory_space<hbm>> -> memref<1x1024xf32, #tpu.memory_space<hbm>>
        %dma_start3A_77 = tpu.memref_squeeze %dma_start3A_76 : memref<1x1024xf32, #tpu.memory_space<hbm>> -> memref<1024xf32, #tpu.memory_space<hbm>>
        tpu.enqueue_dma source(%arg7 : memref<1024xf32, #tpu.memory_space<vmem>>) target(%dma_start3A_77 : memref<1024xf32, #tpu.memory_space<hbm>>) target_semaphore(%run_scoped3A : memref<!tpu.dma_semaphore, #tpu.memory_space<semaphore_mem>>)
        %dma_wait3A = arith.constant 0 : i32
        %dma_wait3A_78 = tpu.memref_slice %arg4[%add3A_62, %dma_wait3A] : memref<300x1024xf32, #tpu.memory_space<hbm>> -> memref<1x1024xf32, #tpu.memory_space<hbm>>
        %dma_wait3A_79 = tpu.memref_squeeze %dma_wait3A_78 : memref<1x1024xf32, #tpu.memory_space<hbm>> -> memref<1024xf32, #tpu.memory_space<hbm>>
        %dma_wait3A_80 = arith.constant 0 : i32
        %dma_wait3A_81 = tpu.memref_slice %arg4[%add3A_62, %dma_wait3A_80] : memref<300x1024xf32, #tpu.memory_space<hbm>> -> memref<1x1024xf32, #tpu.memory_space<hbm>>
        %dma_wait3A_82 = tpu.memref_squeeze %dma_wait3A_81 : memref<1x1024xf32, #tpu.memory_space<hbm>> -> memref<1024xf32, #tpu.memory_space<hbm>>
        tpu.wait_dma2 semaphore(%run_scoped3A : memref<!tpu.dma_semaphore, #tpu.memory_space<semaphore_mem>>) src(%arg7 : memref<1024xf32, #tpu.memory_space<vmem>>) dst(%dma_wait3A_82 : memref<1024xf32, #tpu.memory_space<hbm>>)
        tpu.yield
      }) : () -> ()
    } else {
    }
    return
  }
}

module attributes {stable_mosaic.version = 14 : i64} {
  func.func @_project_kernel(%arg0: i32, %arg1: memref<300x1024xf32, #tpu.memory_space<vmem>>, %arg2: memref<300x4096xf32, #tpu.memory_space<vmem>>, %arg3: memref<4096x1xf32, #tpu.memory_space<vmem>>, %arg4: memref<4096x1024xf32, #tpu.memory_space<vmem>>) attributes {dimension_semantics = [#tpu.dimension_semantics<arbitrary>], iteration_bounds = array<i64: 25>, scalar_prefetch = 0 : i64, scratch_operands = 0 : i64, tpu.core_type = #tpu.core_type<tc>, window_params = [{pipeline_mode = #tpu.pipeline_mode<synchronous>, transform_indices = @transform_0, window_bounds = array<i64: 300, 1024>}, {transform_indices = @transform_1, window_bounds = array<i64: 300, 4096>}, {transform_indices = @transform_2, window_bounds = array<i64: 4096, 1>}, {transform_indices = @transform_3, window_bounds = array<i64: 4096, 1024>}]} {
    %get3A = arith.constant 0 : index
    %get3A_0 = arith.constant 0 : index
    %get3A_1 = vector.load %arg1[%get3A, %get3A_0] : memref<300x1024xf32, #tpu.memory_space<vmem>>, vector<300x1024xf32>
    %mul3A = arith.mulf %get3A_1, %get3A_1 : vector<300x1024xf32>
    %reduce_sum3A = arith.constant dense<0.000000e+00> : vector<1024xf32>
    %reduce_sum3A_2 = vector.multi_reduction <add>, %mul3A, %reduce_sum3A [0] : vector<300x1024xf32> to vector<1024xf32>
    %broadcast_in_dim3A = vector.shape_cast %reduce_sum3A_2 : vector<1024xf32> to vector<1x1024xf32>
    %sqrt3A = math.sqrt %broadcast_in_dim3A : vector<1x1024xf32>
    %max3A = arith.constant 1.000000e-07 : f32
    %max3A_3 = vector.broadcast %max3A : f32 to vector<1x1024xf32>
    %max3A_4 = arith.maximumf %sqrt3A, %max3A_3 : vector<1x1024xf32>
    %div3A = arith.constant 1.000000e+00 : f32
    %div3A_5 = vector.broadcast %div3A : f32 to vector<1x1024xf32>
    %div3A_6 = arith.divf %div3A_5, %max3A_4 : vector<1x1024xf32>
    %min3A = arith.constant 1.000000e+00 : f32
    %min3A_7 = vector.broadcast %min3A : f32 to vector<1x1024xf32>
    %min3A_8 = arith.minimumf %min3A_7, %div3A_6 : vector<1x1024xf32>
    %mul3A_9 = vector.broadcast %min3A_8 : vector<1x1024xf32> to vector<300x1024xf32>
    %mul3A_10 = arith.mulf %get3A_1, %mul3A_9 : vector<300x1024xf32>
    %get3A_11 = arith.constant 0 : index
    %get3A_12 = arith.constant 0 : index
    %get3A_13 = vector.load %arg2[%get3A_11, %get3A_12] : memref<300x4096xf32, #tpu.memory_space<vmem>>, vector<300x4096xf32>
    %dot_general3A = arith.constant dense<0.000000e+00> : vector<4096x1024xf32>
    %dot_general3A_14 = tpu.matmul %get3A_13, %mul3A_10, %dot_general3A {dimension_numbers = #tpu.dot_dimension_numbers<[0], [0], [1], [1], [0, 1, 1, 1], [], []>, transpose_lhs_hint = false} : vector<300x4096xf32>, vector<300x1024xf32>, vector<4096x1024xf32> -> vector<4096x1024xf32>
    %get3A_15 = arith.constant 0 : index
    %get3A_16 = arith.constant 0 : index
    %get3A_17 = vector.load %arg3[%get3A_15, %get3A_16] : memref<4096x1xf32, #tpu.memory_space<vmem>>, vector<4096x1xf32>
    %add3A = vector.broadcast %get3A_17 : vector<4096x1xf32> to vector<4096x1024xf32>
    %add3A_18 = arith.addf %dot_general3A_14, %add3A : vector<4096x1024xf32>
    %swap3A = arith.constant 0 : index
    %swap3A_19 = arith.constant 0 : index
    %swap3A_20 = vector.load %arg4[%swap3A, %swap3A_19] : memref<4096x1024xf32, #tpu.memory_space<vmem>>, vector<4096x1024xf32>
    tpu.vector_store %arg4[%swap3A, %swap3A_19], %add3A_18 {strides = array<i32>} : memref<4096x1024xf32, #tpu.memory_space<vmem>>, vector<4096x1024xf32>,
    return
  }
  func.func @transform_0(%arg0: i32) -> (i32, i32) {
    %c0_i32 = arith.constant 0 : i32
    %c0_i32_0 = arith.constant 0 : i32
    %c0_i32_1 = arith.constant 0 : i32
    return %c0_i32, %c0_i32_0 : i32, i32
  }
  func.func @transform_1(%arg0: i32) -> (i32, i32) {
    %c0_i32 = arith.constant 0 : i32
    %c0_i32_0 = arith.constant 0 : i32
    return %c0_i32, %arg0 : i32, i32
  }
  func.func @transform_2(%arg0: i32) -> (i32, i32) {
    %c0_i32 = arith.constant 0 : i32
    %c0_i32_0 = arith.constant 0 : i32
    return %arg0, %c0_i32 : i32, i32
  }
  func.func @transform_3(%arg0: i32) -> (i32, i32) {
    %c0_i32 = arith.constant 0 : i32
    %c0_i32_0 = arith.constant 0 : i32
    return %arg0, %c0_i32 : i32, i32
  }
}

</mosaic_0001>

<sc_bundles>
// kernel: kernel.4.cloned.1.call-start
scs
__scs_entry_jumppad:
0x0: {  	(pc) =	sbr.rel $0x88, $3  }
0x1: {  	(tag) =	ssettag $0x0;
	lr =	simm.s32 $0x1  }
0x2: {  	[smem:$0x3F9D] =	sst lr;
	_ =	strace $0xD0000000  }
0x3: {  	_ = 	snop  }
0x4: {  	_ = 	snop  }
0x5: {  	_ = 	snop  }
0x6: {  	_ = 	snop  }
0x7: {  	_ = 	snop  }
__scs_overlays_trampoline_lowered:
0x8: {  	[smem:$0x3FAC] =	sst s0  }
0x9: {  	[smem:$0x3FAD] =	sst s1  }
0xa: {  	[smem:$0x3FAE] =	sst s2  }
0xb: {  	[smem:$0x3FAF] =	sst s3  }
0xc: {  	[smem:$0x3FB0] =	sst s4  }
0xd: {  	[smem:$0x3FB1] =	sst s5  }
0xe: {  	[smem:$0x3FB2] =	sst s6  }
0xf: {  	[smem:$0x3FB3] =	sst s7  }
0x10: {  	[smem:$0x3FB4] =	sst s8  }
0x11: {  	[smem:$0x3FB5] =	sst s9;
	s0 =	simm.s32 @!p0 $0x0  }
0x12: {  	s1 =	sld [smem:$0x3F9B];
	s0 =	simm.s32 @p0 $0x1  }
0x13: {  	[smem:$0x3FB6] =	sst s0;
	s0 =	simm.s32 @!p1 $0x0  }
0x14: {  	s2 =	sld [smem:$0x3F9A];
	s0 =	simm.s32 @p1 $0x1  }
0x15: {  	[smem:$0x3FB7] =	sst s0;
	s0 =	simm.s32 @!p2 $0x0  }
0x16: {  	s3 =	sld [smem:$0x3FDB];
	s0 =	simm.s32 @p2 $0x1  }
0x17: {  	s4 =	simm.s32 $0x1BF5;
	[smem:$0x3FB9] =	sst s0  }
0x18: {  	s0 =	sld [smem:$0x3F9C];
	_ =	swait.ge [sflag:s4], $0x0  }
0x19: {  	s7 =	sld [smem:$0x3F9D]  }
0x1a: {  	s8 =	sadd.s32 $0xFFFFE003, lr  }
0x1b: {  	s9 =	sadd.s32 $0xFFFFFEF7, lr;
	s5 =	simm.s32 $0xFFFFFFFF;
	p2 =	slt.u32 s8, $0xFFFFF086  }
0x1c: {  	p1 =	slt.u32 s9, $0xF7A;
	s5 =	simm.s32 @!p2 $0x0  }
0x1d: {  	s5 =	simm.s32 @p1 $0x1;
	p0 =	seq.s32 s7, s2  }
0x1e: {  	s7 =	smul.u32 @!p0 $0xF7A, s2;
	p2 =	seq.s32 @!p0 s5, $0x0  }
0x1f: {  	s9 =	smul.u32 $0xF7A, s1;
	s8 =	simm.s32 @!p0 $0x1BF5;
	p2 =	por !p2, p0  }
0x20: {  	[sflag:s8] =	ssyncset.s32 @!p0 $0xFFFFF086;
	s6 =	sadd.s32 @!p0 s3, s7;
	s7 =	simm.s32 @!p0 $0x108  }
0x21: {  	s3 =	sadd.s32 s3, s9;
	s6 =	sadd.s32 @!p0 $0x88, s6;
	s7 =	simm.s32 @p2 $0x1082  }
0x22: {  	[simem:s7], [sflag:s8] =	dma.local @!p0 [hbm:s6], $0xF7A  }
0x23: {  	s9 =	sor.u32 $0xD0000000, s2;
	s6 =	simm.s32 $0x108;
	_ =	swait.ge @!p0 [sflag:s8], $0x0  }
0x24: {  	s3 =	sadd.s32 $0x88, s3;
	s6 =	simm.s32 @!p1 $0x1082;
	[sflag:s4] =	ssyncset.s32 $0xFFFFF086  }
0x25: {  	[simem:s6], [sflag:s4] =	dma.local [hbm:s3], $0xF7A  }
0x26: {  	[smem:$0x3F9D] =	sst s1;
	(tag) =	ssettag s2;
	_ =	strace s9  }
0x27: {  	s1 =	sld [smem:$0x3FAD]  }
0x28: {  	s2 =	sld [smem:$0x3FAE]  }
0x29: {  	s4 =	sld [smem:$0x3FB0]  }
0x2a: {  	p0 =	seq.s32 s5, $0x0;
	s5 =	sld [smem:$0x3FB1]  }
0x2b: {  	s6 =	sld [smem:$0x3FB2]  }
0x2c: {  	s7 =	sld [smem:$0x3FB3]  }
0x2d: {  	s3 =	simm.s32 $0x108;
	s8 =	sld [smem:$0x3FB4]  }
0x2e: {  	s3 =	simm.s32 @!p0 $0x1082;
	s9 =	sld [smem:$0x3FB5]  }
0x2f: {  	lr =	sadd.s32 s0, s3;
	s0 =	sld [smem:$0x3FAC]  }
0x30: {  	s3 =	sld [smem:$0x3FAF]  }
0x31: {  	[smem:$0x3FB8] =	sst s10  }
0x32: {  	s10 =	sld [smem:$0x3FB6];
	_ =	sdelay $0x3  }
0x33: {  	p0 =	seq.s32 s10, $0x1;
	s10 =	sld [smem:$0x3FB8];
	_ =	sdelay $0x3  }
0x34: {  	[smem:$0x3FB8] =	sst s10  }
0x35: {  	s10 =	sld [smem:$0x3FB7];
	_ =	sdelay $0x3  }
0x36: {  	p1 =	seq.s32 s10, $0x1;
	s10 =	sld [smem:$0x3FB8];
	_ =	sdelay $0x3  }
0x37: {  	[smem:$0x3FB8] =	sst s10  }
0x38: {  	s10 =	sld [smem:$0x3FB9]  }
0x39: {  	_ = 	snop;
	(pc) =	sbr.ind lr, $3  }
0x3a: {  	_ = 	snop  }
0x3b: {  	_ = 	snop  }
0x3c: {  	p2 =	seq.s32 s10, $0x1;
	s10 =	sld [smem:$0x3FB8]  }
0x3d: {  	_ =	shalt  }
0x3e: {  	_ =	shalt  }
0x3f: {  	_ =	shalt  }
0x40: {  	_ =	shalt  }
0x41: {  	_ =	shalt  }
0x42: {  	_ =	shalt  }
0x43: {  	_ =	shalt  }
0x44: {  	_ =	shalt  }
0x45: {  	_ =	shalt  }
0x46: {  	_ =	shalt  }
0x47: {  	_ =	shalt  }
0x48: {  	_ =	shalt  }
0x49: {  	_ =	shalt  }
0x4a: {  	_ =	shalt  }
0x4b: {  	_ =	shalt  }
0x4c: {  	_ =	shalt  }
0x4d: {  	_ =	shalt  }
0x4e: {  	_ =	shalt  }
0x4f: {  	_ =	shalt  }
0x50: {  	_ =	shalt  }
0x51: {  	_ =	shalt  }
0x52: {  	_ =	shalt  }
0x53: {  	_ =	shalt  }
0x54: {  	_ =	shalt  }
0x55: {  	_ =	shalt  }
0x56: {  	_ =	shalt  }
0x57: {  	_ =	shalt  }
0x58: {  	_ =	shalt  }
0x59: {  	_ =	shalt  }
0x5a: {  	_ =	shalt  }
0x5b: {  	_ =	shalt  }
0x5c: {  	_ =	shalt  }
0x5d: {  	_ =	shalt  }
0x5e: {  	_ =	shalt  }
0x5f: {  	_ =	shalt  }
0x60: {  	_ =	shalt  }
0x61: {  	_ =	shalt  }
0x62: {  	_ =	shalt  }
0x63: {  	_ =	shalt  }
0x64: {  	_ =	shalt  }
0x65: {  	_ =	shalt  }
0x66: {  	_ =	shalt  }
0x67: {  	_ =	shalt  }
0x68: {  	_ =	shalt  }
0x69: {  	_ =	shalt  }
0x6a: {  	_ =	shalt  }
0x6b: {  	_ =	shalt  }
0x6c: {  	_ =	shalt  }
0x6d: {  	_ =	shalt  }
0x6e: {  	_ =	shalt  }
0x6f: {  	_ =	shalt  }
0x70: {  	_ =	shalt  }
0x71: {  	_ =	shalt  }
0x72: {  	_ =	shalt  }
0x73: {  	_ =	shalt  }
0x74: {  	_ =	shalt  }
0x75: {  	_ =	shalt  }
0x76: {  	_ =	shalt  }
0x77: {  	_ =	shalt  }
0x78: {  	_ =	shalt  }
0x79: {  	_ =	shalt  }
0x7a: {  	_ =	shalt  }
0x7b: {  	_ =	shalt  }
0x7c: {  	_ =	shalt  }
0x7d: {  	_ =	shalt  }
0x7e: {  	_ =	shalt  }
0x7f: {  	_ =	shalt  }
0x80: {  	_ =	shalt  }
0x81: {  	_ =	shalt  }
0x82: {  	_ =	shalt  }
0x83: {  	_ =	shalt  }
0x84: {  	_ =	shalt  }
0x85: {  	_ =	shalt  }
0x86: {  	_ =	shalt  }
0x87: {  	_ =	shalt  }
.Lfunc_end0:
.L_simem_size_0:
called_computation_lowered:
.L_overlay_start_0:
0x88: {  	s2 =	sld [smem:$0x3FD9]  }
0x89: {  	s3 =	sld [smem:$0x3FFE];
	_ =	sdelay $0x1  }
0x8a: {  	s1 =	srdreg.scid  }
0x8b: {  	s0 =	sand.u32 $0x1, s1  }
0x8c: {  	s17 =	sshll.u32 s0, $0xA;
	s2 =	sadd.s32 s3, s2  }
0x8d: {  	s2 =	sadd.s32 s2, s17  }
0x8e: {  	[smem:$0x3FC4] =	sst s2  }
0x8f: {  	_ = 	snop  }
0x90: {  	s2 =	sld [smem:$0x3FC9]  }
0x91: {  	s18 =	sld [smem:$0x3FC8];
	(tm) =	ssettm $0x1  }
0x92: {  	s4 =	sld [smem:$0x3FFB];
	_ =	sdelay $0x3  }
0x93: {  	_ =	strace s4  }
0x94: {  	s4 =	sld [smem:$0x3FFC];
	_ =	sdelay $0x3  }
0x95: {  	_ =	strace s4  }
0x96: {  	s4 =	sld [smem:$0x3FFD];
	_ =	sdelay $0x3  }
0x97: {  	_ =	strace s4  }
0x98: {  	_ =	strace $0x8FFFFFFF  }
0x99: {  	s19 =	sld [smem:$0x3FDB];
	_ =	sdelay $0x1  }
0x9a: {  	s5 =	simm.s32 $_scs_section_size  }
0x9b: {  	s6 =	simm.s32 $_size__tile_overlayer_lowered;
	s7 =	simm.s32 $_tile_overlayer_lowered  }
0x9c: {  	s22 =	simm.s32 $0x1BFF;
	s21 =	sshll.u32 s7, $0x1;
	s4 =	sadd.s32 s5, s19  }
0x9d: {  	s8 =	simm.s32 $0x0;
	s20 =	sshll.u32 s6, $0x1;
	s6 =	sadd.s32 s21, s4  }
0x9e: {  	[timem:s8], [sflag:s22] =	dma.local [hbm:s6], s20  }
0x9f: {  	_ =	swait.ge [sflag:s22], s20  }
0xa0: {  	s5 =	ssub.s32 $0x0, s20;
	[sflag:s22] =	ssyncset.done $0x0  }
0xa1: {  	[sflag:s22] =	ssyncadd.s32 s5;
	_ =	sdelay $0x1  }
0xa2: {  	s23 =	simm.s32 $0x1B8B  }
0xa3: {  	_ =	swait.ge [sflag:s23], $0x1  }
0xa4: {  	[sflag:s23] =	ssyncset.done $0x0  }
0xa5: {  	s25 =	simm.s32 $0x1B8E;
	s24 =	sld [smem:$0x3FFE];
	[sflag:s23] =	ssyncadd.s32 $0xFFFFFFFF  }
0xa6: {  	s26 =	simm.s32 $execute0_lowered;
	[smem:$0x3FD2] =	sst s25  }
0xa7: {  	s6 =	sshll.u32 s26, $0x1;
	_ =	strace $0x80000046;
	[dreg:$0x1] =	wrdreg $0xFFFFFFFF  }
0xa8: {  	s28 =	simm.s32 $_size_execute0_lowered;
	s4 =	sadd.s32 s4, s6;
	[dreg:$0x0] =	wrdreg $0x0  }
0xa9: {  	s6 =	sshll.u32 s28, $0x1;
	[dreg:$0x2] =	wrdreg s4  }
0xaa: {  	[dreg:$0x3] =	wrdreg s6  }
0xab: {  	[dreg:$0x4] =	wrdreg $0xC0  }
0xac: {  	_ =	task [dreg:s8], $0x5FFFF  }
0xad: {  	[dreg:$0x1] =	wrdreg $0xFFFFFFFF  }
0xae: {  	[dreg:$0x0] =	wrdreg $0x60  }
0xaf: {  	[dreg:$0x2] =	wrdreg s18  }
0xb0: {  	[dreg:$0x3] =	wrdreg s2  }
0xb1: {  	[dreg:$0x4] =	wrdreg s24  }
0xb2: {  	[dreg:$0x5] =	wrdreg $0x9  }
0xb3: {  	_ =	task.clear_ibuf [dreg:s8], $0x6FFFF;
	_ =	strace $0x90000046  }
0xb4: {  	s29 =	simm.s32 $0x9;
	_ =	strace $0x80000048  }
0xb5: {  	_ =	swait.ge [sflag:s29], $0x1  }
0xb6: {  	[sflag:s29] =	ssyncadd.s32 $0xFFFFFFFF  }
0xb7: {  	_ =	strace $0x90000048  }
0xb8: {  	_ =	sfence  }
0xb9: {  	s30 =	sld [smem:$0x0];
	_ =	sdelay $0x2  }
0xba: {  	s31 =	sshll.u32 s1, $0xD;
	s1 =	sshrl.u32 s1, $0x2  }
0xbb: {  	s3 =	sand.u32 $0x4000, s31;
	s1 =	sadd.s32 s1, s30  }
0xbc: {  	s0 =	sor.u32 s3, s0;
	s1 =	sshll.u32 s1, $0x11  }
0xbd: {  	s0 =	sor.u32 s1, s0  }
0xbe: {  	s0 =	sadd.s32 $0x8F2B, s0  }
0xbf: {  	[sflag:s0] =	ssyncadd.remote.s32 $0x1  }
0xc0: {  	_ =	sfence.sel $0xFFFF  }
0xc1: {  	[dreg:$0x0] =	wrdreg $0xFFFFFFFF;
	(pc) =	sbr.abs _section_cstart, $3  }
0xc2: {  	[dreg:$0x1] =	wrdreg $0xFFFFFFFF  }
0xc3: {  	_ =	task.clear_ibuf [dreg:s8], $0x2FFFF;
	_ =	strace $0x9FFFFFFF  }
0xc4: {  	(tm) =	ssettm $0x7FFFFFFF  }
0xc5: {  	_ =	shalt  }
tec
execute0_lowered:
.L_overlay_start_1:
0x0: {  	(tag) =	ssettag $0x1  }
0x1: {  	s9 =	rddreg [dreg:$0x0]  }
0x2: {  	s1 =	rddreg [dreg:$0x1]  }
0x3: {  	s0 =	srdreg.scid;
	s14 =	rddreg [dreg:$0x2]  }
0x4: {  	s26 =	stileid.u32;
	s28 =	simm.s32 $0x400;
	s29 =	simm.s32 $0x18B00  }
0x5: {  	s30 =	simm.s32 $0x0;
	s0 =	sand.u32 $0x1, s0;
	s6 =	sshrl.u32 s26, $0x2  }
0x6: {  	s3 =	sshll.u32 s26, $0x8;
	p0 =	sgt.u32 s26, $0x5;
	s26 =	simm.s32 $0x80  }
0x7: {  	s2 =	ssub.s32 $0x2, s0;
	s0 =	sshll.u32 s0, $0x7;
	s3 =	sand.u32 $0x300, s3  }
0x8: {  	s4 =	smul.u32 $0xC3800, s6;
	s15 =	sor.u32 $0x4, s6;
	s16 =	sor.u32 $0x8, s6  }
0x9: {  	s17 =	sor.u32 $0xC, s6;
	s13 =	sor.u32 s0, s3;
	s3 =	smul.u32 $0xC3800, s15  }
0xa: {  	s18 =	sshll.u32 s6, $0xD;
	s21 =	sor.u32 $0x1C, s6;
	s7 =	smul.u32 $0xC3800, s17  }
0xb: {  	s19 =	sor.u32 $0x10, s6;
	s22 =	sor.u32 $0x20, s6;
	s11 =	smul.u32 $0xC3800, s21  }
0xc: {  	s20 =	sor.u32 $0x18, s6;
	s23 =	sor.u32 $0x24, s6;
	s12 =	smul.u32 $0xC3800, s22  }
0xd: {  	s5 =	sshrl.u32 s2, $0x1;
	s25 =	smul.u32 $0xC3800, s23;
	s15 =	sshll.u32 s15, $0xD  }
0xe: {  	s17 =	sshll.u32 s17, $0xD;
	s21 =	sshll.u32 s21, $0xD;
	s22 =	sshll.u32 s22, $0xD  }
0xf: {  	s24 =	ssub.s32 s2, s5;
	s4 =	sor.u32 s4, s13;
	s5 =	smul.u32 $0xC3800, s16  }
0x10: {  	s15 =	sor.u32 s13, s15;
	s16 =	sshll.u32 s16, $0xD;
	s17 =	sor.u32 s13, s17  }
0x11: {  	s21 =	sor.u32 s13, s21;
	s0 =	sor.u32 s13, s3;
	s2 =	sshrl.u32 s4, $0x3  }
0x12: {  	s10 =	sor.u32 s13, s7;
	s7 =	smul.u32 $0xC3800, s19;
	s11 =	sor.u32 s13, s11  }
0x13: {  	s12 =	sor.u32 s13, s12;
	s31 =	sor.u32 s13, s25;
	s16 =	sor.u32 s13, s16  }
0x14: {  	s19 =	sshll.u32 s19, $0xD;
	s25 =	sshll.u32 s23, $0xD;
	s15 =	sshrl.u32 s15, $0x3  }
0x15: {  	s17 =	sshrl.u32 s17, $0x3;
	s21 =	sshrl.u32 s21, $0x3;
	s24 =	smax.u32 s24, $0x1  }
0x16: {  	s0 =	sshrl.u32 s0, $0x3;
	s2 =	sadd.s32 s9, s2;
	s8 =	sor.u32 s13, s5  }
0x17: {  	s5 =	sshrl.u32 s10, $0x3;
	s3 =	sadd.s32 s9, s0;
	s0 =	sshrl.u32 s8, $0x3  }
0x18: {  	s10 =	smul.u32 $0xC3800, s20;
	s4 =	sadd.s32 s9, s0;
	s0 =	sor.u32 $0x14, s6  }
0x19: {  	s20 =	sshll.u32 s20, $0xD;
	s7 =	sor.u32 s13, s7;
	s8 =	smul.u32 $0xC3800, s0  }
0x1a: {  	s16 =	sshrl.u32 s16, $0x3;
	s5 =	sadd.s32 s9, s5;
	s7 =	sshrl.u32 s7, $0x3  }
0x1b: {  	s10 =	sor.u32 s13, s10;
	s0 =	sshll.u32 s0, $0xD;
	s8 =	sor.u32 s13, s8  }
0x1c: {  	s10 =	sshrl.u32 s10, $0x3;
	s0 =	sor.u32 s13, s0;
	s8 =	sshrl.u32 s8, $0x3  }
0x1d: {  	s6 =	sadd.s32 s9, s7;
	s0 =	sshrl.u32 s0, $0x3;
	s7 =	sadd.s32 s9, s8  }
0x1e: {  	s8 =	sadd.s32 s9, s10;
	s10 =	sshrl.u32 s11, $0x3;
	s11 =	sshrl.u32 s12, $0x3  }
0x1f: {  	s12 =	sshrl.u32 s31, $0x3;
	s31 =	sor.u32 s13, s22;
	s22 =	sor.u32 s13, s25  }
0x20: {  	s25 =	sadd.s32 $0x600, s14;
	s10 =	sadd.s32 s9, s10;
	s11 =	sadd.s32 s9, s11  }
0x21: {  	s12 =	sadd.s32 s9, s12;
	s9 =	sor.u32 s18, s13;
	s18 =	sor.u32 s13, s19  }
0x22: {  	s19 =	sor.u32 s13, s20;
	s13 =	simm.s32 $0x0;
	s15 =	sadd.s32 s25, s15  }
0x23: {  	s16 =	sadd.s32 s25, s16;
	s17 =	sadd.s32 s25, s17;
	s21 =	sadd.s32 s25, s21  }
.Ltmp0:
0x24: {  	s23 =	sshrl.u32 s31, $0x3;
	s31 =	sshrl.u32 s22, $0x3;
	(pc) =	sbr.rel .LBB2_1-.Ltmp0, $4  }
0x25: {  	[smem:$0x7FF] =	sst s13;
	s9 =	sshrl.u32 s9, $0x3;
	s18 =	sshrl.u32 s18, $0x3  }
0x26: {  	s20 =	sshrl.u32 s19, $0x3;
	s19 =	sadd.s32 s25, s0;
	s22 =	sadd.s32 s25, s23  }
0x27: {  	s23 =	sadd.s32 s25, s31;
	_ =	strace $0x80000047;
	s14 =	sadd.s32 s25, s9  }
0x28: {  	s18 =	sadd.s32 s25, s18;
	s20 =	sadd.s32 s25, s20;
	s25 =	simm.s32 $0x1  }
.LBB2_22:
0x29: {  	v1 =	vld [tilespmem:s9+$0x0];
	_ =	sdelay $0x6  }
0x2a: {  	[tilespmem:s31+$0x18B00] =	vst v0  }
0x2b: {  	v0 =	vld.idx.msk [tilespmem:v1+s28+$0x0], $0xffff;
	_ =	sdelay $0x4  }
0x2c: {  	[tilespmem:s9+$0x18B00] =	vst v0  }
0x2d: {  	[hbm4b:s23+s26] =	stream.strided.scatter [tilespmem:s29], [sflag:$0x1], $0x400, s28, s26, $0x38;
	[tilespmem:$0x18F00] =	vst v63  }
0x2e: {  	_ =	swait.ge [sflag:s25], $0x400  }
0x2f: {  	[sflag:s25] =	ssyncset.done $0x0  }
0x30: {  	[sflag:s25] =	ssyncadd.s32 $0xFFFFFC00  }
.LBB2_23:
0x31: {  	s30 =	sadd.s32 $0x1, s30  }
0x32: {  	p1 =	sne.s32 s30, s24  }
.Ltmp1:
0x33: {  	_ = 	snop;
	(pc) =	sbr.rel @!p1 .LBB2_24-.Ltmp1, $1  }
0x34: {  	_ =	sdelay $0x3  }
.LBB2_1:
0x35: {  	[tilespmem:s13], [sflag:$0x1] =	stream.linear.gather [hbm4b:s1+s13], $0x400, $0x38;
	[tilespmem:$0x18F00] =	vst v63  }
0x36: {  	_ =	swait.ge [sflag:s25], $0x400  }
0x37: {  	[sflag:s25] =	ssyncset.done $0x0  }
0x38: {  	[sflag:s25] =	ssyncadd.s32 $0xFFFFFC00  }
0x39: {  	[tilespmem:s28], [sflag:$0x1] =	stream.strided.gather [hbm4b:s2+s26], $0x18700, s28, s26, $0x38;
	[tilespmem:$0x18F00] =	vst v63  }
0x3a: {  	_ =	swait.ge [sflag:s25], $0x18700  }
0x3b: {  	[sflag:s25] =	ssyncset.done $0x0  }
0x3c: {  	s31 =	simm.s32 $0x0;
	[sflag:s25] =	ssyncadd.s32 $0xFFFE7900  }
0x3d: {  	v0 =	vld [tilespmem:s31+$0x0];
	_ =	sdelay $0x7  }
0x3e: {  	s9 =	simm.s32 $0x10;
	s0 =	simm.s32 $0x80;
	v0 =	vld.idx.msk [tilespmem:v0+s28+$0x0], $0xffff  }
.LBB2_2:
0x3f: {  	p1 =	sne.s32 s0, $0xFC0;
	v1 =	vld [tilespmem:s9+$0x0];
	_ =	sdelay $0x3  }
.Ltmp2:
0x40: {  	(pc) =	sbr.rel @p1 .LBB2_2-.Ltmp2, $2  }
0x41: {  	[tilespmem:s31+$0x18B00] =	vst v0;
	s31 =	smov.u32 s9;
	_ =	sdelay $0x2  }
0x42: {  	s9 =	sshra.s32 s0, $0x2;
	s0 =	sadd.s32 $0x40, s0;
	v0 =	vld.idx.msk [tilespmem:v1+s28+$0x0], $0xffff  }
0x43: {  	v1 =	vld [tilespmem:s9+$0x0];
	_ =	sdelay $0x6  }
0x44: {  	[tilespmem:s31+$0x18B00] =	vst v0  }
0x45: {  	v0 =	vld.idx.msk [tilespmem:v1+s28+$0x0], $0xffff;
	_ =	sdelay $0x4  }
0x46: {  	[tilespmem:s9+$0x18B00] =	vst v0  }
0x47: {  	[hbm4b:s14+s26] =	stream.strided.scatter [tilespmem:s29], [sflag:$0x1], $0x400, s28, s26, $0x38;
	[tilespmem:$0x18F00] =	vst v63  }
0x48: {  	_ =	swait.ge [sflag:s25], $0x400  }
0x49: {  	[sflag:s25] =	ssyncset.done $0x0  }
0x4a: {  	[sflag:s25] =	ssyncadd.s32 $0xFFFFFC00  }
0x4b: {  	[tilespmem:s28], [sflag:$0x1] =	stream.strided.gather [hbm4b:s3+s26], $0x18700, s28, s26, $0x38;
	[tilespmem:$0x18F00] =	vst v63  }
0x4c: {  	_ =	swait.ge [sflag:s25], $0x18700  }
0x4d: {  	[sflag:s25] =	ssyncset.done $0x0  }
0x4e: {  	s31 =	simm.s32 $0x0;
	[sflag:s25] =	ssyncadd.s32 $0xFFFE7900  }
0x4f: {  	v0 =	vld [tilespmem:s31+$0x0];
	_ =	sdelay $0x7  }
0x50: {  	s0 =	simm.s32 $0x80;
	s9 =	simm.s32 $0x10;
	v0 =	vld.idx.msk [tilespmem:v0+s28+$0x0], $0xffff  }
.LBB2_4:
0x51: {  	p1 =	sne.s32 s0, $0xFC0;
	v1 =	vld [tilespmem:s9+$0x0];
	_ =	sdelay $0x3  }
.Ltmp3:
0x52: {  	(pc) =	sbr.rel @p1 .LBB2_4-.Ltmp3, $2  }
0x53: {  	[tilespmem:s31+$0x18B00] =	vst v0;
	s31 =	smov.u32 s9;
	_ =	sdelay $0x2  }
0x54: {  	s9 =	sshra.s32 s0, $0x2;
	s0 =	sadd.s32 $0x40, s0;
	v0 =	vld.idx.msk [tilespmem:v1+s28+$0x0], $0xffff  }
0x55: {  	v1 =	vld [tilespmem:s9+$0x0];
	_ =	sdelay $0x6  }
0x56: {  	[tilespmem:s31+$0x18B00] =	vst v0  }
0x57: {  	v0 =	vld.idx.msk [tilespmem:v1+s28+$0x0], $0xffff;
	_ =	sdelay $0x4  }
0x58: {  	[tilespmem:s9+$0x18B00] =	vst v0  }
0x59: {  	[hbm4b:s15+s26] =	stream.strided.scatter [tilespmem:s29], [sflag:$0x1], $0x400, s28, s26, $0x38;
	[tilespmem:$0x18F00] =	vst v63  }
0x5a: {  	_ =	swait.ge [sflag:s25], $0x400  }
0x5b: {  	[sflag:s25] =	ssyncset.done $0x0  }
0x5c: {  	[sflag:s25] =	ssyncadd.s32 $0xFFFFFC00  }
0x5d: {  	[tilespmem:s28], [sflag:$0x1] =	stream.strided.gather [hbm4b:s4+s26], $0x18700, s28, s26, $0x38;
	[tilespmem:$0x18F00] =	vst v63  }
0x5e: {  	_ =	swait.ge [sflag:s25], $0x18700  }
0x5f: {  	[sflag:s25] =	ssyncset.done $0x0  }
0x60: {  	s31 =	simm.s32 $0x0;
	[sflag:s25] =	ssyncadd.s32 $0xFFFE7900  }
0x61: {  	v0 =	vld [tilespmem:s31+$0x0];
	_ =	sdelay $0x7  }
0x62: {  	s0 =	simm.s32 $0x80;
	s9 =	simm.s32 $0x10;
	v0 =	vld.idx.msk [tilespmem:v0+s28+$0x0], $0xffff  }
.LBB2_6:
0x63: {  	p1 =	sne.s32 s0, $0xFC0;
	v1 =	vld [tilespmem:s9+$0x0];
	_ =	sdelay $0x3  }
.Ltmp4:
0x64: {  	(pc) =	sbr.rel @p1 .LBB2_6-.Ltmp4, $2  }
0x65: {  	[tilespmem:s31+$0x18B00] =	vst v0;
	s31 =	smov.u32 s9;
	_ =	sdelay $0x2  }
0x66: {  	s9 =	sshra.s32 s0, $0x2;
	s0 =	sadd.s32 $0x40, s0;
	v0 =	vld.idx.msk [tilespmem:v1+s28+$0x0], $0xffff  }
0x67: {  	v1 =	vld [tilespmem:s9+$0x0];
	_ =	sdelay $0x6  }
0x68: {  	[tilespmem:s31+$0x18B00] =	vst v0  }
0x69: {  	v0 =	vld.idx.msk [tilespmem:v1+s28+$0x0], $0xffff;
	_ =	sdelay $0x4  }
0x6a: {  	[tilespmem:s9+$0x18B00] =	vst v0  }
0x6b: {  	[hbm4b:s16+s26] =	stream.strided.scatter [tilespmem:s29], [sflag:$0x1], $0x400, s28, s26, $0x38;
	[tilespmem:$0x18F00] =	vst v63  }
0x6c: {  	_ =	swait.ge [sflag:s25], $0x400  }
0x6d: {  	[sflag:s25] =	ssyncset.done $0x0  }
0x6e: {  	[sflag:s25] =	ssyncadd.s32 $0xFFFFFC00  }
0x6f: {  	[tilespmem:s28], [sflag:$0x1] =	stream.strided.gather [hbm4b:s5+s26], $0x18700, s28, s26, $0x38;
	[tilespmem:$0x18F00] =	vst v63  }
0x70: {  	_ =	swait.ge [sflag:s25], $0x18700  }
0x71: {  	[sflag:s25] =	ssyncset.done $0x0  }
0x72: {  	s31 =	simm.s32 $0x0;
	[sflag:s25] =	ssyncadd.s32 $0xFFFE7900  }
0x73: {  	v0 =	vld [tilespmem:s31+$0x0];
	_ =	sdelay $0x7  }
0x74: {  	s0 =	simm.s32 $0x80;
	s9 =	simm.s32 $0x10;
	v0 =	vld.idx.msk [tilespmem:v0+s28+$0x0], $0xffff  }
.LBB2_8:
0x75: {  	p1 =	sne.s32 s0, $0xFC0;
	v1 =	vld [tilespmem:s9+$0x0];
	_ =	sdelay $0x3  }
.Ltmp5:
0x76: {  	(pc) =	sbr.rel @p1 .LBB2_8-.Ltmp5, $2  }
0x77: {  	[tilespmem:s31+$0x18B00] =	vst v0;
	s31 =	smov.u32 s9;
	_ =	sdelay $0x2  }
0x78: {  	s9 =	sshra.s32 s0, $0x2;
	s0 =	sadd.s32 $0x40, s0;
	v0 =	vld.idx.msk [tilespmem:v1+s28+$0x0], $0xffff  }
0x79: {  	v1 =	vld [tilespmem:s9+$0x0];
	_ =	sdelay $0x6  }
0x7a: {  	[tilespmem:s31+$0x18B00] =	vst v0  }
0x7b: {  	v0 =	vld.idx.msk [tilespmem:v1+s28+$0x0], $0xffff;
	_ =	sdelay $0x4  }
0x7c: {  	[tilespmem:s9+$0x18B00] =	vst v0  }
0x7d: {  	[hbm4b:s17+s26] =	stream.strided.scatter [tilespmem:s29], [sflag:$0x1], $0x400, s28, s26, $0x38;
	[tilespmem:$0x18F00] =	vst v63  }
0x7e: {  	_ =	swait.ge [sflag:s25], $0x400  }
0x7f: {  	[sflag:s25] =	ssyncset.done $0x0  }
0x80: {  	[sflag:s25] =	ssyncadd.s32 $0xFFFFFC00  }
0x81: {  	[tilespmem:s28], [sflag:$0x1] =	stream.strided.gather [hbm4b:s6+s26], $0x18700, s28, s26, $0x38;
	[tilespmem:$0x18F00] =	vst v63  }
0x82: {  	_ =	swait.ge [sflag:s25], $0x18700  }
0x83: {  	[sflag:s25] =	ssyncset.done $0x0  }
0x84: {  	s31 =	simm.s32 $0x0;
	[sflag:s25] =	ssyncadd.s32 $0xFFFE7900  }
0x85: {  	v0 =	vld [tilespmem:s31+$0x0];
	_ =	sdelay $0x7  }
0x86: {  	s0 =	simm.s32 $0x80;
	s9 =	simm.s32 $0x10;
	v0 =	vld.idx.msk [tilespmem:v0+s28+$0x0], $0xffff  }
.LBB2_10:
0x87: {  	p1 =	sne.s32 s0, $0xFC0;
	v1 =	vld [tilespmem:s9+$0x0];
	_ =	sdelay $0x3  }
.Ltmp6:
0x88: {  	(pc) =	sbr.rel @p1 .LBB2_10-.Ltmp6, $2  }
0x89: {  	[tilespmem:s31+$0x18B00] =	vst v0;
	s31 =	smov.u32 s9;
	_ =	sdelay $0x2  }
0x8a: {  	s9 =	sshra.s32 s0, $0x2;
	s0 =	sadd.s32 $0x40, s0;
	v0 =	vld.idx.msk [tilespmem:v1+s28+$0x0], $0xffff  }
0x8b: {  	v1 =	vld [tilespmem:s9+$0x0];
	_ =	sdelay $0x6  }
0x8c: {  	[tilespmem:s31+$0x18B00] =	vst v0  }
0x8d: {  	v0 =	vld.idx.msk [tilespmem:v1+s28+$0x0], $0xffff;
	_ =	sdelay $0x4  }
0x8e: {  	[tilespmem:s9+$0x18B00] =	vst v0  }
0x8f: {  	[hbm4b:s18+s26] =	stream.strided.scatter [tilespmem:s29], [sflag:$0x1], $0x400, s28, s26, $0x38;
	[tilespmem:$0x18F00] =	vst v63  }
0x90: {  	_ =	swait.ge [sflag:s25], $0x400  }
0x91: {  	[sflag:s25] =	ssyncset.done $0x0  }
0x92: {  	[sflag:s25] =	ssyncadd.s32 $0xFFFFFC00  }
0x93: {  	[tilespmem:s28], [sflag:$0x1] =	stream.strided.gather [hbm4b:s7+s26], $0x18700, s28, s26, $0x38;
	[tilespmem:$0x18F00] =	vst v63  }
0x94: {  	_ =	swait.ge [sflag:s25], $0x18700  }
0x95: {  	[sflag:s25] =	ssyncset.done $0x0  }
0x96: {  	s31 =	simm.s32 $0x0;
	[sflag:s25] =	ssyncadd.s32 $0xFFFE7900  }
0x97: {  	v0 =	vld [tilespmem:s31+$0x0];
	_ =	sdelay $0x7  }
0x98: {  	s0 =	simm.s32 $0x80;
	s9 =	simm.s32 $0x10;
	v0 =	vld.idx.msk [tilespmem:v0+s28+$0x0], $0xffff  }
.LBB2_12:
0x99: {  	p1 =	sne.s32 s0, $0xFC0;
	v1 =	vld [tilespmem:s9+$0x0];
	_ =	sdelay $0x3  }
.Ltmp7:
0x9a: {  	(pc) =	sbr.rel @p1 .LBB2_12-.Ltmp7, $2  }
0x9b: {  	[tilespmem:s31+$0x18B00] =	vst v0;
	s31 =	smov.u32 s9;
	_ =	sdelay $0x2  }
0x9c: {  	s9 =	sshra.s32 s0, $0x2;
	s0 =	sadd.s32 $0x40, s0;
	v0 =	vld.idx.msk [tilespmem:v1+s28+$0x0], $0xffff  }
0x9d: {  	v1 =	vld [tilespmem:s9+$0x0];
	_ =	sdelay $0x6  }
0x9e: {  	[tilespmem:s31+$0x18B00] =	vst v0  }
0x9f: {  	v0 =	vld.idx.msk [tilespmem:v1+s28+$0x0], $0xffff;
	_ =	sdelay $0x4  }
0xa0: {  	[tilespmem:s9+$0x18B00] =	vst v0  }
0xa1: {  	[hbm4b:s19+s26] =	stream.strided.scatter [tilespmem:s29], [sflag:$0x1], $0x400, s28, s26, $0x38;
	[tilespmem:$0x18F00] =	vst v63  }
0xa2: {  	_ =	swait.ge [sflag:s25], $0x400  }
0xa3: {  	[sflag:s25] =	ssyncset.done $0x0  }
0xa4: {  	[sflag:s25] =	ssyncadd.s32 $0xFFFFFC00  }
0xa5: {  	[tilespmem:s28], [sflag:$0x1] =	stream.strided.gather [hbm4b:s8+s26], $0x18700, s28, s26, $0x38;
	[tilespmem:$0x18F00] =	vst v63  }
0xa6: {  	_ =	swait.ge [sflag:s25], $0x18700  }
0xa7: {  	[sflag:s25] =	ssyncset.done $0x0  }
0xa8: {  	s31 =	simm.s32 $0x0;
	[sflag:s25] =	ssyncadd.s32 $0xFFFE7900  }
0xa9: {  	v0 =	vld [tilespmem:s31+$0x0];
	_ =	sdelay $0x7  }
0xaa: {  	s0 =	simm.s32 $0x80;
	s9 =	simm.s32 $0x10;
	v0 =	vld.idx.msk [tilespmem:v0+s28+$0x0], $0xffff  }
.LBB2_14:
0xab: {  	p1 =	sne.s32 s0, $0xFC0;
	v1 =	vld [tilespmem:s9+$0x0];
	_ =	sdelay $0x3  }
.Ltmp8:
0xac: {  	(pc) =	sbr.rel @p1 .LBB2_14-.Ltmp8, $2  }
0xad: {  	[tilespmem:s31+$0x18B00] =	vst v0;
	s31 =	smov.u32 s9;
	_ =	sdelay $0x2  }
0xae: {  	s9 =	sshra.s32 s0, $0x2;
	s0 =	sadd.s32 $0x40, s0;
	v0 =	vld.idx.msk [tilespmem:v1+s28+$0x0], $0xffff  }
0xaf: {  	v1 =	vld [tilespmem:s9+$0x0];
	_ =	sdelay $0x6  }
0xb0: {  	[tilespmem:s31+$0x18B00] =	vst v0  }
0xb1: {  	v0 =	vld.idx.msk [tilespmem:v1+s28+$0x0], $0xffff;
	_ =	sdelay $0x4  }
0xb2: {  	[tilespmem:s9+$0x18B00] =	vst v0  }
0xb3: {  	[hbm4b:s20+s26] =	stream.strided.scatter [tilespmem:s29], [sflag:$0x1], $0x400, s28, s26, $0x38;
	[tilespmem:$0x18F00] =	vst v63  }
0xb4: {  	_ =	swait.ge [sflag:s25], $0x400  }
0xb5: {  	[sflag:s25] =	ssyncset.done $0x0  }
0xb6: {  	[sflag:s25] =	ssyncadd.s32 $0xFFFFFC00  }
0xb7: {  	[tilespmem:s28], [sflag:$0x1] =	stream.strided.gather [hbm4b:s10+s26], $0x18700, s28, s26, $0x38;
	[tilespmem:$0x18F00] =	vst v63  }
0xb8: {  	_ =	swait.ge [sflag:s25], $0x18700  }
0xb9: {  	[sflag:s25] =	ssyncset.done $0x0  }
0xba: {  	s31 =	simm.s32 $0x0;
	[sflag:s25] =	ssyncadd.s32 $0xFFFE7900  }
0xbb: {  	v0 =	vld [tilespmem:s31+$0x0];
	_ =	sdelay $0x7  }
0xbc: {  	s0 =	simm.s32 $0x80;
	s9 =	simm.s32 $0x10;
	v0 =	vld.idx.msk [tilespmem:v0+s28+$0x0], $0xffff  }
.LBB2_16:
0xbd: {  	p1 =	sne.s32 s0, $0xFC0;
	v1 =	vld [tilespmem:s9+$0x0];
	_ =	sdelay $0x3  }
.Ltmp9:
0xbe: {  	(pc) =	sbr.rel @p1 .LBB2_16-.Ltmp9, $2  }
0xbf: {  	[tilespmem:s31+$0x18B00] =	vst v0;
	s31 =	smov.u32 s9;
	_ =	sdelay $0x2  }
0xc0: {  	s9 =	sshra.s32 s0, $0x2;
	s0 =	sadd.s32 $0x40, s0;
	v0 =	vld.idx.msk [tilespmem:v1+s28+$0x0], $0xffff  }
0xc1: {  	v1 =	vld [tilespmem:s9+$0x0];
	_ =	sdelay $0x6  }
0xc2: {  	[tilespmem:s31+$0x18B00] =	vst v0  }
0xc3: {  	v0 =	vld.idx.msk [tilespmem:v1+s28+$0x0], $0xffff;
	_ =	sdelay $0x4  }
0xc4: {  	[tilespmem:s9+$0x18B00] =	vst v0  }
0xc5: {  	[hbm4b:s21+s26] =	stream.strided.scatter [tilespmem:s29], [sflag:$0x1], $0x400, s28, s26, $0x38;
	[tilespmem:$0x18F00] =	vst v63  }
0xc6: {  	_ =	swait.ge [sflag:s25], $0x400  }
0xc7: {  	[sflag:s25] =	ssyncset.done $0x0  }
0xc8: {  	[sflag:s25] =	ssyncadd.s32 $0xFFFFFC00  }
0xc9: {  	[tilespmem:s28], [sflag:$0x1] =	stream.strided.gather [hbm4b:s11+s26], $0x18700, s28, s26, $0x38;
	[tilespmem:$0x18F00] =	vst v63  }
0xca: {  	_ =	swait.ge [sflag:s25], $0x18700  }
0xcb: {  	[sflag:s25] =	ssyncset.done $0x0  }
0xcc: {  	s31 =	simm.s32 $0x0;
	[sflag:s25] =	ssyncadd.s32 $0xFFFE7900  }
0xcd: {  	v0 =	vld [tilespmem:s31+$0x0];
	_ =	sdelay $0x7  }
0xce: {  	s0 =	simm.s32 $0x80;
	s9 =	simm.s32 $0x10;
	v0 =	vld.idx.msk [tilespmem:v0+s28+$0x0], $0xffff  }
.LBB2_18:
0xcf: {  	p1 =	sne.s32 s0, $0xFC0;
	v1 =	vld [tilespmem:s9+$0x0];
	_ =	sdelay $0x3  }
.Ltmp10:
0xd0: {  	(pc) =	sbr.rel @p1 .LBB2_18-.Ltmp10, $2  }
0xd1: {  	[tilespmem:s31+$0x18B00] =	vst v0;
	s31 =	smov.u32 s9;
	_ =	sdelay $0x2  }
0xd2: {  	s9 =	sshra.s32 s0, $0x2;
	s0 =	sadd.s32 $0x40, s0;
	v0 =	vld.idx.msk [tilespmem:v1+s28+$0x0], $0xffff  }
0xd3: {  	v1 =	vld [tilespmem:s9+$0x0];
	_ =	sdelay $0x6  }
0xd4: {  	[tilespmem:s31+$0x18B00] =	vst v0  }
0xd5: {  	v0 =	vld.idx.msk [tilespmem:v1+s28+$0x0], $0xffff;
	_ =	sdelay $0x4  }
.Ltmp11:
0xd6: {  	[tilespmem:s9+$0x18B00] =	vst v0;
	(pc) =	sbr.rel @p0 .LBB2_23-.Ltmp11, $4  }
0xd7: {  	[hbm4b:s22+s26] =	stream.strided.scatter [tilespmem:s29], [sflag:$0x1], $0x400, s28, s26, $0x38;
	[tilespmem:$0x18F00] =	vst v63  }
0xd8: {  	_ =	swait.ge [sflag:s25], $0x400  }
0xd9: {  	[sflag:s25] =	ssyncset.done $0x0  }
0xda: {  	[sflag:s25] =	ssyncadd.s32 $0xFFFFFC00  }
0xdb: {  	[tilespmem:s28], [sflag:$0x1] =	stream.strided.gather [hbm4b:s12+s26], $0x18700, s28, s26, $0x38;
	[tilespmem:$0x18F00] =	vst v63  }
0xdc: {  	_ =	swait.ge [sflag:s25], $0x18700  }
0xdd: {  	[sflag:s25] =	ssyncset.done $0x0  }
0xde: {  	s31 =	simm.s32 $0x0;
	[sflag:s25] =	ssyncadd.s32 $0xFFFE7900  }
0xdf: {  	v0 =	vld [tilespmem:s31+$0x0];
	_ =	sdelay $0x7  }
0xe0: {  	s9 =	simm.s32 $0x10;
	s0 =	simm.s32 $0x80;
	v0 =	vld.idx.msk [tilespmem:v0+s28+$0x0], $0xffff  }
.LBB2_21:
0xe1: {  	p1 =	sne.s32 s0, $0xFC0;
	v1 =	vld [tilespmem:s9+$0x0];
	_ =	sdelay $0x3  }
.Ltmp12:
0xe2: {  	(pc) =	sbr.rel @p1 .LBB2_21-.Ltmp12, $2  }
0xe3: {  	[tilespmem:s31+$0x18B00] =	vst v0;
	s31 =	smov.u32 s9;
	_ =	sdelay $0x2  }
0xe4: {  	s9 =	sshra.s32 s0, $0x2;
	s0 =	sadd.s32 $0x40, s0;
	v0 =	vld.idx.msk [tilespmem:v1+s28+$0x0], $0xffff  }
.Ltmp13:
0xe5: {  	_ = 	snop;
	(pc) =	sbr.rel .LBB2_22-.Ltmp13, $1  }
0xe6: {  	_ =	sdelay $0x3  }
.LBB2_24:
0xe7: {  	_ =	sfence.sel $0x180000  }
0xe8: {  	[bflag:$0x0] =	sbarrier.arrive $0xFFFF  }
0xe9: {  	_ =	strace $0x90000047  }
0xea: {  	s0 =	stileid.u32;
	[bflag:$0x2] =	sbarrier.arrive $0xFFFF  }
0xeb: {  	p0 =	sne.s32 s0, $0x0;
	s0 =	rddreg [dreg:$0x3]  }
0xec: {  	s0 =	sadd.s32 @!p0 $0x100000, s0  }
0xed: {  	[sflag:s0] =	ssyncadd.tile.s32 @!p0 $0x1;
	_ =	shalt  }
.Lfunc_end2:
_tile_overlayer_lowered:
.L_overlay_start_2:
0xee: {  	(tag) =	ssettag $0x2  }
0xef: {  	s0 =	rddreg [dreg:$0x0];
	s2 =	stileid.u32  }
0xf0: {  	s1 =	rddreg [dreg:$0x1];
	p0 =	sne.s32 s2, $0x0  }
0xf1: {  	s3 =	rddreg [dreg:$0x2];
	[bflag:$0x3] =	sbarrier.arrive $0xFFFF;
	s2 =	simm.s32 @!p0 $0x1C01  }
0xf2: {  	[timem:s3], [sflag:s2] =	dma.local @!p0 [hbm:s0], s1  }
0xf3: {  	s0 =	simm.s32 @!p0 $0x1  }
0xf4: {  	_ =	swait.ge @!p0 [sflag:s0], s1  }
0xf5: {  	s1 =	ssub.s32 @!p0 $0x0, s1;
	[sflag:s0] =	ssyncset.done @!p0 $0x0  }
0xf6: {  	[sflag:s0] =	ssyncadd.s32 @!p0 s1  }
0xf7: {  	[bflag:$0x3] =	sbarrier.arrive $0xFFFF  }
0xf8: {  	_ =	shalt  }

</sc_bundles>
